<compile_context>
chip_gen: v7x
topology: tpu7x:2x2x1
jax: 0.10.2.dev20260603
libtpu: 0.0.44.dev20260713+nightly
codegen_flags: <defaults>
</compile_context>

<pallas_src>
import functools

import jax
import jax.numpy as jnp
from jax import lax
from jax.experimental import pallas as pl
from jax.experimental.pallas import tpu as pltpu
from jax.experimental.pallas import tpu_sc as plsc

N = 10000
D = 128
EPS = 1e-5

NC = 2
NS = 16
NW = NC * NS
K = 128
RCH = 400
NRCH = N // RCH
HPAD = 16


def _seg_sum_partials(h, sd_pairs, zrows, ch, ch0, ch1):
    mesh = plsc.VectorSubcoreMesh(core_axis_name="c", subcore_axis_name="s",
                                  num_cores=NC, num_subcores=NS)

    @functools.partial(
        pl.kernel,
        out_type=jax.ShapeDtypeStruct((NC, N, D), jnp.float32),
        mesh=mesh,
        scratch_types=[
            pltpu.VMEM((K, D), jnp.float32),
            pltpu.VMEM((2, ch, K), jnp.int32),
            pltpu.VMEM_SHARED((N, D), jnp.float32),
            pltpu.SemaphoreType.DMA,
        ],
    )
    def k(h_hbm, sd_hbm, z_hbm, out_hbm, rows, sd, acc, gsem):
        cid = lax.axis_index("c")
        sid = lax.axis_index("s")
        wid = cid * NS + sid

        pltpu.sync_copy(sd_hbm.at[wid * 2], sd.at[0])
        pltpu.sync_copy(sd_hbm.at[wid * 2 + 1], sd.at[1])

        @pl.loop(sid, NRCH, step=NS)
        def _(q):
            pltpu.sync_copy(z_hbm, acc.at[pl.ds(q * RCH, RCH)])

        plsc.subcore_barrier()
        chw = jnp.where(cid == 0, ch0, ch1)
        pltpu.async_copy(h_hbm.at[sd.at[0, 0]], rows, gsem)

        @pl.loop(0, chw)
        def _(i):
            pltpu.make_async_copy(h_hbm.at[sd.at[0, i]], rows, gsem).wait()
            pltpu.sync_copy(rows, acc.at[sd.at[1, i]], add=True)

            @pl.when(i + 1 < chw)
            def _():
                pltpu.async_copy(h_hbm.at[sd.at[0, i + 1]], rows, gsem)

        plsc.subcore_barrier()

        @pl.loop(sid, NRCH, step=NS)
        def _(q):
            pltpu.sync_copy(acc.at[pl.ds(q * RCH, RCH)],
                            out_hbm.at[cid, pl.ds(q * RCH, RCH)])

    return k(h, sd_pairs, zrows)


def _tc_matmul(x, w):
    def body(x_ref, w_ref, o_ref):
        o_ref[...] = jnp.dot(x_ref[...], w_ref[...],
                             preferred_element_type=jnp.float32,
                             precision=lax.Precision.HIGHEST)

    return pl.pallas_call(
        body, out_shape=jax.ShapeDtypeStruct((N, D), jnp.float32))(x, w)


def _tc_bn_relu_matmul(parts, gamma, beta, mean, var, w):
    def body(p_ref, g_ref, b_ref, m_ref, v_ref, w_ref, o_ref):
        s = p_ref[0] + p_ref[1]
        scale = g_ref[...] * lax.rsqrt(v_ref[...] + EPS)
        shift = b_ref[...] - m_ref[...] * scale
        y = jnp.maximum(s * scale + shift, 0.0)
        o_ref[...] = jnp.dot(y, w_ref[...],
                             preferred_element_type=jnp.float32,
                             precision=lax.Precision.HIGHEST)

    return pl.pallas_call(
        body, out_shape=jax.ShapeDtypeStruct((N, D), jnp.float32))(
            parts, gamma, beta, mean, var, w)


def _tc_log_softmax(parts):
    def body(p_ref, o_ref):
        s = p_ref[0] + p_ref[1]
        m = jnp.max(s, axis=-1, keepdims=True)
        e = jnp.exp(s - m)
        lse = jnp.log(jnp.sum(e, axis=-1, keepdims=True)) + m
        o_ref[...] = s - lse

    return pl.pallas_call(
        body, out_shape=jax.ShapeDtypeStruct((N, D), jnp.float32))(parts)


FAST_FRAC = 0.61


def _pad_edges(edge_index, fast_core):
    e = edge_index.shape[1]
    cht = -(-e // (NS * K))
    chf = int(round(cht * FAST_FRAC))
    chs = cht - chf
    ch0, ch1 = (chf, chs) if fast_core == 0 else (chs, chf)
    ch = max(ch0, ch1)
    src = edge_index[0].astype(jnp.int32)
    dst = edge_index[1].astype(jnp.int32)
    pad = NS * cht * K - e
    src = jnp.concatenate([src, jnp.full((pad,), N, jnp.int32)])
    dst = jnp.concatenate([dst, jnp.zeros((pad,), jnp.int32)])

    def per_core(a, padval):
        p0 = a[:NS * ch0 * K].reshape(NS, ch0, K)
        p1 = a[NS * ch0 * K:].reshape(NS, ch1, K)
        p0 = jnp.pad(p0, ((0, 0), (0, ch - ch0), (0, 0)),
                     constant_values=padval)
        p1 = jnp.pad(p1, ((0, 0), (0, ch - ch1), (0, 0)),
                     constant_values=padval)
        return jnp.concatenate([p0, p1], axis=0)

    sd = jnp.stack([per_core(src, N), per_core(dst, 0)],
                   axis=1).reshape(NW * 2, ch, K)
    return sd, ch, ch0, ch1


def kernel(x, edge_index0, edge_index1, W0, W1, bn_gamma, bn_beta, bn_mean,
           bn_var):
    x = x.astype(jnp.float32)
    zrows = jnp.zeros((RCH, D), jnp.float32)
    zpad = jnp.zeros((HPAD, D), jnp.float32)
    g = bn_gamma.reshape(1, D)
    b = bn_beta.reshape(1, D)
    m = bn_mean.reshape(1, D)
    v = bn_var.reshape(1, D)

    FAST_CORE = 0
    sd0, cha, cha0, cha1 = _pad_edges(edge_index0, FAST_CORE)
    sd1, chb, chb0, chb1 = _pad_edges(edge_index1, FAST_CORE)

    h0 = jnp.concatenate([_tc_matmul(x, W0), zpad])
    p0 = _seg_sum_partials(h0, sd0, zrows, cha, cha0, cha1)
    h1 = jnp.concatenate([_tc_bn_relu_matmul(p0, g, b, m, v, W1), zpad])
    p1 = _seg_sum_partials(h1, sd1, zrows, chb, chb0, chb1)
    return _tc_log_softmax(p1)

# --- scband reference (transcript-rebuilt; emitter-appended) ---
"""Pipeline reference for scband-gcn-5282809775007 (READ-ONLY COPY).

The authoritative reference and input builder live on the scoring server;
editing this copy changes nothing except your own understanding.
"""

import jax, jax.numpy as jnp
import numpy as np

N = 10000
E = 320000
D = 128
H = 128
EPS = 1e-5


def _xavier_uniform_relu(key, fan_in, fan_out):
    gain = float(np.sqrt(2.0))  # calculate_gain('relu')
    limit = gain * float(np.sqrt(6.0 / (fan_in + fan_out)))
    return jax.random.uniform(key, (fan_in, fan_out), minval=-limit, maxval=limit, dtype=jnp.float32)


def setup_inputs(seed: int = 0) -> dict:
    key = jax.random.key(seed)
    ks = jax.random.split(key, 5)
    x = jax.random.normal(ks[0], (N, D), dtype=jnp.float32)
    edge_index0 = jax.random.randint(ks[1], (2, E), 0, N, dtype=jnp.int64)
    edge_index1 = jax.random.randint(ks[2], (2, E), 0, N, dtype=jnp.int64)
    # GCNConv weights (bias=False), xavier_uniform with relu gain per init_weights
    W0 = _xavier_uniform_relu(ks[3], D, H)
    W1 = _xavier_uniform_relu(ks[4], H, H)
    # BatchNorm1d params/buffers (eval mode)
    bn_gamma = jnp.ones((H,), dtype=jnp.float32)
    bn_beta = jnp.zeros((H,), dtype=jnp.float32)
    bn_mean = jnp.zeros((H,), dtype=jnp.float32)
    bn_var = jnp.ones((H,), dtype=jnp.float32)
    return {"x": x, "edge_index0": edge_index0, "edge_index1": edge_index1,
            "W0": W0, "W1": W1, "bn_gamma": bn_gamma, "bn_beta": bn_beta,
            "bn_mean": bn_mean, "bn_var": bn_var}


def _gcn_conv(x, edge_index, W):
    # GCNConv(normalize=False, bias=False, improved=False):
    #   h = x @ W ; out[dst] = sum_{edges} h[src]
    h = x @ W
    src = edge_index[0]
    dst = edge_index[1]
    msgs = jnp.take(h, src, axis=0)
    out = jax.ops.segment_sum(msgs, dst, num_segments=x.shape[0])
    return out


def reference(x, edge_index0, edge_index1, W0, W1, bn_gamma, bn_beta, bn_mean, bn_var):
    x = x.astype(jnp.float32)
    # layer 0: adjs[0] = (edge_index0, None, (N, N))
    x = _gcn_conv(x, edge_index0, W0)
    # bn (eval: running stats) + relu; dropout is identity in eval
    x = (x - bn_mean) / jnp.sqrt(bn_var + EPS) * bn_gamma + bn_beta
    x = jax.nn.relu(x)
    # layer 1 (last): adjs[1] = (edge_index1, None, (N, N))
    x = _gcn_conv(x, edge_index1, W1)
    return jax.nn.log_softmax(x, axis=-1)

if __name__ == "__main__":
    import jax
    _d = setup_inputs()
    print(jax.jit(kernel)(*tuple(_d.values())))

</pallas_src>

<mosaic_0001>
#map = affine_map<(d0, d1) -> (0, 0)>
#map1 = affine_map<(d0, d1) -> (0, 0, 0)>
module attributes {stable_mosaic.version = 14 : i64} {
  func.func @k(%arg0: i32, %arg1: i32, %arg2: memref<10016x128xf32, #tpu.memory_space<hbm>>, %arg3: memref<64x96x128xi32, #tpu.memory_space<hbm>>, %arg4: memref<400x128xf32, #tpu.memory_space<hbm>>, %arg5: memref<2x10000x128xf32, #tpu.memory_space<hbm>>, %arg6: memref<128x128xf32, #tpu.memory_space<vmem>>, %arg7: memref<2x96x128xi32, #tpu.memory_space<vmem>>, %arg8: memref<10000x128xf32, #tpu.memory_space<vmem_shared>>, %arg9: memref<!tpu.dma_semaphore, #tpu.memory_space<semaphore_mem>>) attributes {dimension_semantics = [#tpu.dimension_semantics<core_parallel>, #tpu.dimension_semantics<subcore_parallel>], iteration_bounds = array<i64: 2, 16>, scalar_prefetch = 0 : i64, scratch_operands = 4 : i64, tpu.core_type = #tpu.core_type<sc_vector_subcore>, window_params = [{transform_indices = #map}, {transform_indices = #map1}, {transform_indices = #map}, {transform_indices = #map1}]} {
    %mul3A = arith.constant 16 : i32
    %mul3A_0 = arith.muli %arg0, %mul3A : i32
    %add3A = arith.addi %mul3A_0, %arg1 : i32
    %mul3A_1 = arith.constant 2 : i32
    %mul3A_2 = arith.muli %add3A, %mul3A_1 : i32
    %run_scoped3A = arith.constant 0 : i32
    "tpu.region"() ({
      %run_scoped3A_70 = tpu.sem_alloc : memref<!tpu.dma_semaphore, #tpu.memory_space<semaphore_mem>>
      %dma_start3A_71 = arith.constant 0 : i32
      %dma_start3A_72 = arith.constant 0 : i32
      %dma_start3A_73 = tpu.memref_slice %arg7[%run_scoped3A, %dma_start3A_71, %dma_start3A_72] : memref<2x96x128xi32, #tpu.memory_space<vmem>> -> memref<1x96x128xi32, #tpu.memory_space<vmem>>
      %dma_start3A_74 = tpu.memref_squeeze %dma_start3A_73 : memref<1x96x128xi32, #tpu.memory_space<vmem>> -> memref<96x128xi32, #tpu.memory_space<vmem>>
      %dma_start3A_75 = arith.constant 0 : i32
      %dma_start3A_76 = arith.constant 0 : i32
      %dma_start3A_77 = tpu.memref_slice %arg3[%mul3A_2, %dma_start3A_75, %dma_start3A_76] : memref<64x96x128xi32, #tpu.memory_space<hbm>> -> memref<1x96x128xi32, #tpu.memory_space<hbm>>
      %dma_start3A_78 = tpu.memref_squeeze %dma_start3A_77 : memref<1x96x128xi32, #tpu.memory_space<hbm>> -> memref<96x128xi32, #tpu.memory_space<hbm>>
      %dma_start3A_79 = arith.constant 0 : i32
      %dma_start3A_80 = arith.constant 0 : i32
      %dma_start3A_81 = tpu.memref_slice %arg7[%run_scoped3A, %dma_start3A_79, %dma_start3A_80] : memref<2x96x128xi32, #tpu.memory_space<vmem>> -> memref<1x96x128xi32, #tpu.memory_space<vmem>>
      %dma_start3A_82 = tpu.memref_squeeze %dma_start3A_81 : memref<1x96x128xi32, #tpu.memory_space<vmem>> -> memref<96x128xi32, #tpu.memory_space<vmem>>
      %dma_start3A_83 = arith.constant 0 : i32
      %dma_start3A_84 = arith.constant 0 : i32
      %dma_start3A_85 = tpu.memref_slice %arg3[%mul3A_2, %dma_start3A_83, %dma_start3A_84] : memref<64x96x128xi32, #tpu.memory_space<hbm>> -> memref<1x96x128xi32, #tpu.memory_space<hbm>>
      %dma_start3A_86 = tpu.memref_squeeze %dma_start3A_85 : memref<1x96x128xi32, #tpu.memory_space<hbm>> -> memref<96x128xi32, #tpu.memory_space<hbm>>
      tpu.enqueue_dma source(%dma_start3A_86 : memref<96x128xi32, #tpu.memory_space<hbm>>) target(%dma_start3A_82 : memref<96x128xi32, #tpu.memory_space<vmem>>) target_semaphore(%run_scoped3A_70 : memref<!tpu.dma_semaphore, #tpu.memory_space<semaphore_mem>>)
      %dma_wait3A = arith.constant 0 : i32
      %dma_wait3A_87 = arith.constant 0 : i32
      %dma_wait3A_88 = tpu.memref_slice %arg7[%run_scoped3A, %dma_wait3A, %dma_wait3A_87] : memref<2x96x128xi32, #tpu.memory_space<vmem>> -> memref<1x96x128xi32, #tpu.memory_space<vmem>>
      %dma_wait3A_89 = tpu.memref_squeeze %dma_wait3A_88 : memref<1x96x128xi32, #tpu.memory_space<vmem>> -> memref<96x128xi32, #tpu.memory_space<vmem>>
      %dma_wait3A_90 = arith.constant 0 : i32
      %dma_wait3A_91 = arith.constant 0 : i32
      %dma_wait3A_92 = tpu.memref_slice %arg3[%mul3A_2, %dma_wait3A_90, %dma_wait3A_91] : memref<64x96x128xi32, #tpu.memory_space<hbm>> -> memref<1x96x128xi32, #tpu.memory_space<hbm>>
      %dma_wait3A_93 = tpu.memref_squeeze %dma_wait3A_92 : memref<1x96x128xi32, #tpu.memory_space<hbm>> -> memref<96x128xi32, #tpu.memory_space<hbm>>
      %dma_wait3A_94 = arith.constant 0 : i32
      %dma_wait3A_95 = arith.constant 0 : i32
      %dma_wait3A_96 = tpu.memref_slice %arg7[%run_scoped3A, %dma_wait3A_94, %dma_wait3A_95] : memref<2x96x128xi32, #tpu.memory_space<vmem>> -> memref<1x96x128xi32, #tpu.memory_space<vmem>>
      %dma_wait3A_97 = tpu.memref_squeeze %dma_wait3A_96 : memref<1x96x128xi32, #tpu.memory_space<vmem>> -> memref<96x128xi32, #tpu.memory_space<vmem>>
      %dma_wait3A_98 = arith.constant 0 : i32
      %dma_wait3A_99 = arith.constant 0 : i32
      %dma_wait3A_100 = tpu.memref_slice %arg3[%mul3A_2, %dma_wait3A_98, %dma_wait3A_99] : memref<64x96x128xi32, #tpu.memory_space<hbm>> -> memref<1x96x128xi32, #tpu.memory_space<hbm>>
      %dma_wait3A_101 = tpu.memref_squeeze %dma_wait3A_100 : memref<1x96x128xi32, #tpu.memory_space<hbm>> -> memref<96x128xi32, #tpu.memory_space<hbm>>
      tpu.wait_dma2 semaphore(%run_scoped3A_70 : memref<!tpu.dma_semaphore, #tpu.memory_space<semaphore_mem>>) src(%dma_wait3A_101 : memref<96x128xi32, #tpu.memory_space<hbm>>) dst(%dma_wait3A_97 : memref<96x128xi32, #tpu.memory_space<vmem>>)
      tpu.yield
    }) : () -> ()
    %mul3A_3 = arith.constant 2 : i32
    %mul3A_4 = arith.muli %add3A, %mul3A_3 : i32
    %add3A_5 = arith.constant 1 : i32
    %add3A_6 = arith.addi %mul3A_4, %add3A_5 : i32
    %run_scoped3A_7 = arith.constant 1 : i32
    "tpu.region"() ({
      %run_scoped3A_70 = tpu.sem_alloc : memref<!tpu.dma_semaphore, #tpu.memory_space<semaphore_mem>>
      %dma_start3A_71 = arith.constant 0 : i32
      %dma_start3A_72 = arith.constant 0 : i32
      %dma_start3A_73 = tpu.memref_slice %arg7[%run_scoped3A_7, %dma_start3A_71, %dma_start3A_72] : memref<2x96x128xi32, #tpu.memory_space<vmem>> -> memref<1x96x128xi32, #tpu.memory_space<vmem>>
      %dma_start3A_74 = tpu.memref_squeeze %dma_start3A_73 : memref<1x96x128xi32, #tpu.memory_space<vmem>> -> memref<96x128xi32, #tpu.memory_space<vmem>>
      %dma_start3A_75 = arith.constant 0 : i32
      %dma_start3A_76 = arith.constant 0 : i32
      %dma_start3A_77 = tpu.memref_slice %arg3[%add3A_6, %dma_start3A_75, %dma_start3A_76] : memref<64x96x128xi32, #tpu.memory_space<hbm>> -> memref<1x96x128xi32, #tpu.memory_space<hbm>>
      %dma_start3A_78 = tpu.memref_squeeze %dma_start3A_77 : memref<1x96x128xi32, #tpu.memory_space<hbm>> -> memref<96x128xi32, #tpu.memory_space<hbm>>
      %dma_start3A_79 = arith.constant 0 : i32
      %dma_start3A_80 = arith.constant 0 : i32
      %dma_start3A_81 = tpu.memref_slice %arg7[%run_scoped3A_7, %dma_start3A_79, %dma_start3A_80] : memref<2x96x128xi32, #tpu.memory_space<vmem>> -> memref<1x96x128xi32, #tpu.memory_space<vmem>>
      %dma_start3A_82 = tpu.memref_squeeze %dma_start3A_81 : memref<1x96x128xi32, #tpu.memory_space<vmem>> -> memref<96x128xi32, #tpu.memory_space<vmem>>
      %dma_start3A_83 = arith.constant 0 : i32
      %dma_start3A_84 = arith.constant 0 : i32
      %dma_start3A_85 = tpu.memref_slice %arg3[%add3A_6, %dma_start3A_83, %dma_start3A_84] : memref<64x96x128xi32, #tpu.memory_space<hbm>> -> memref<1x96x128xi32, #tpu.memory_space<hbm>>
      %dma_start3A_86 = tpu.memref_squeeze %dma_start3A_85 : memref<1x96x128xi32, #tpu.memory_space<hbm>> -> memref<96x128xi32, #tpu.memory_space<hbm>>
      tpu.enqueue_dma source(%dma_start3A_86 : memref<96x128xi32, #tpu.memory_space<hbm>>) target(%dma_start3A_82 : memref<96x128xi32, #tpu.memory_space<vmem>>) target_semaphore(%run_scoped3A_70 : memref<!tpu.dma_semaphore, #tpu.memory_space<semaphore_mem>>)
      %dma_wait3A = arith.constant 0 : i32
      %dma_wait3A_87 = arith.constant 0 : i32
      %dma_wait3A_88 = tpu.memref_slice %arg7[%run_scoped3A_7, %dma_wait3A, %dma_wait3A_87] : memref<2x96x128xi32, #tpu.memory_space<vmem>> -> memref<1x96x128xi32, #tpu.memory_space<vmem>>
      %dma_wait3A_89 = tpu.memref_squeeze %dma_wait3A_88 : memref<1x96x128xi32, #tpu.memory_space<vmem>> -> memref<96x128xi32, #tpu.memory_space<vmem>>
      %dma_wait3A_90 = arith.constant 0 : i32
      %dma_wait3A_91 = arith.constant 0 : i32
      %dma_wait3A_92 = tpu.memref_slice %arg3[%add3A_6, %dma_wait3A_90, %dma_wait3A_91] : memref<64x96x128xi32, #tpu.memory_space<hbm>> -> memref<1x96x128xi32, #tpu.memory_space<hbm>>
      %dma_wait3A_93 = tpu.memref_squeeze %dma_wait3A_92 : memref<1x96x128xi32, #tpu.memory_space<hbm>> -> memref<96x128xi32, #tpu.memory_space<hbm>>
      %dma_wait3A_94 = arith.constant 0 : i32
      %dma_wait3A_95 = arith.constant 0 : i32
      %dma_wait3A_96 = tpu.memref_slice %arg7[%run_scoped3A_7, %dma_wait3A_94, %dma_wait3A_95] : memref<2x96x128xi32, #tpu.memory_space<vmem>> -> memref<1x96x128xi32, #tpu.memory_space<vmem>>
      %dma_wait3A_97 = tpu.memref_squeeze %dma_wait3A_96 : memref<1x96x128xi32, #tpu.memory_space<vmem>> -> memref<96x128xi32, #tpu.memory_space<vmem>>
      %dma_wait3A_98 = arith.constant 0 : i32
      %dma_wait3A_99 = arith.constant 0 : i32
      %dma_wait3A_100 = tpu.memref_slice %arg3[%add3A_6, %dma_wait3A_98, %dma_wait3A_99] : memref<64x96x128xi32, #tpu.memory_space<hbm>> -> memref<1x96x128xi32, #tpu.memory_space<hbm>>
      %dma_wait3A_101 = tpu.memref_squeeze %dma_wait3A_100 : memref<1x96x128xi32, #tpu.memory_space<hbm>> -> memref<96x128xi32, #tpu.memory_space<hbm>>
      tpu.wait_dma2 semaphore(%run_scoped3A_70 : memref<!tpu.dma_semaphore, #tpu.memory_space<semaphore_mem>>) src(%dma_wait3A_101 : memref<96x128xi32, #tpu.memory_space<hbm>>) dst(%dma_wait3A_97 : memref<96x128xi32, #tpu.memory_space<vmem>>)
      tpu.yield
    }) : () -> ()
    %sub3A = arith.constant 25 : i32
    %sub3A_8 = arith.subi %sub3A, %arg1 : i32
    %sub3A_9 = arith.constant 16 : i32
    %sub3A_10 = arith.constant 1 : i32
    %sub3A_11 = arith.subi %sub3A_9, %sub3A_10 : i32
    %add3A_12 = arith.addi %sub3A_8, %sub3A_11 : i32
    %div3A = arith.constant 16 : i32
    %div3A_13 = arith.divsi %add3A_12, %div3A : i32
    %while3A = arith.constant 16 : i32
    %while3A_14 = arith.constant 0 : i32
    %while3A_15 = arith.subi %div3A_13, %while3A_14 : i32
    %while3A_16 = arith.addi %while3A_14, %while3A_15 : i32
    %while3A_17 = arith.constant 1 : i32
    %while3A_18 = arith.divsi %while3A_15, %while3A_17 : i32
    %while3A_19 = arith.muli %while3A_18, %while3A_17 : i32
    %while3A_20 = arith.addi %while3A_14, %while3A_19 : i32
    %while3A_21 = arith.constant 1 : i32
    scf.for %while3A_70 = %while3A_14 to %while3A_20 step %while3A_21  : i32 {
      %mul3A_71 = arith.muli %while3A_70, %while3A : i32
      %add3A_72 = arith.addi %arg1, %mul3A_71 : i32
      %mul3A_73 = arith.constant 400 : i32
      %mul3A_74 = arith.muli %add3A_72, %mul3A_73 : i32
      "tpu.region"() ({
        %run_scoped3A_75 = tpu.sem_alloc : memref<!tpu.dma_semaphore, #tpu.memory_space<semaphore_mem>>
        %dma_start3A_76 = arith.constant 0 : i32
        %dma_start3A_77 = tpu.memref_slice %arg8[%mul3A_74, %dma_start3A_76] : memref<10000x128xf32, #tpu.memory_space<vmem_shared>> -> memref<400x128xf32, #tpu.memory_space<vmem_shared>>
        tpu.enqueue_dma source(%arg4 : memref<400x128xf32, #tpu.memory_space<hbm>>) target(%dma_start3A_77 : memref<400x128xf32, #tpu.memory_space<vmem_shared>>) target_semaphore(%run_scoped3A_75 : memref<!tpu.dma_semaphore, #tpu.memory_space<semaphore_mem>>)
        %dma_wait3A = arith.constant 0 : i32
        %dma_wait3A_78 = tpu.memref_slice %arg8[%mul3A_74, %dma_wait3A] : memref<10000x128xf32, #tpu.memory_space<vmem_shared>> -> memref<400x128xf32, #tpu.memory_space<vmem_shared>>
        tpu.wait_dma2 semaphore(%run_scoped3A_75 : memref<!tpu.dma_semaphore, #tpu.memory_space<semaphore_mem>>) src(%arg4 : memref<400x128xf32, #tpu.memory_space<hbm>>) dst(%dma_wait3A_78 : memref<400x128xf32, #tpu.memory_space<vmem_shared>>)
        tpu.yield
      }) : () -> ()
    }
    %while3A_22 = arith.constant 1 : i32
    scf.for %while3A_70 = %while3A_20 to %while3A_16 step %while3A_22  : i32 {
      %mul3A_71 = arith.muli %while3A_70, %while3A : i32
      %add3A_72 = arith.addi %arg1, %mul3A_71 : i32
      %mul3A_73 = arith.constant 400 : i32
      %mul3A_74 = arith.muli %add3A_72, %mul3A_73 : i32
      "tpu.region"() ({
        %run_scoped3A_75 = tpu.sem_alloc : memref<!tpu.dma_semaphore, #tpu.memory_space<semaphore_mem>>
        %dma_start3A_76 = arith.constant 0 : i32
        %dma_start3A_77 = tpu.memref_slice %arg8[%mul3A_74, %dma_start3A_76] : memref<10000x128xf32, #tpu.memory_space<vmem_shared>> -> memref<400x128xf32, #tpu.memory_space<vmem_shared>>
        tpu.enqueue_dma source(%arg4 : memref<400x128xf32, #tpu.memory_space<hbm>>) target(%dma_start3A_77 : memref<400x128xf32, #tpu.memory_space<vmem_shared>>) target_semaphore(%run_scoped3A_75 : memref<!tpu.dma_semaphore, #tpu.memory_space<semaphore_mem>>)
        %dma_wait3A = arith.constant 0 : i32
        %dma_wait3A_78 = tpu.memref_slice %arg8[%mul3A_74, %dma_wait3A] : memref<10000x128xf32, #tpu.memory_space<vmem_shared>> -> memref<400x128xf32, #tpu.memory_space<vmem_shared>>
        tpu.wait_dma2 semaphore(%run_scoped3A_75 : memref<!tpu.dma_semaphore, #tpu.memory_space<semaphore_mem>>) src(%arg4 : memref<400x128xf32, #tpu.memory_space<hbm>>) dst(%dma_wait3A_78 : memref<400x128xf32, #tpu.memory_space<vmem_shared>>)
        tpu.yield
      }) : () -> ()
    }
    %barrier3A = arith.constant 0 : index
    tpu.barrier barrier_id(%barrier3A)
    %eq3A = arith.constant 0 : i32
    %eq3A_23 = arith.cmpi eq, %arg0, %eq3A : i32
    %jit3A = arith.constant 96 : i32
    %jit3A_24 = arith.constant 61 : i32
    %select_n3A = arith.select %eq3A_23, %jit3A, %jit3A_24 : i32
    %dma_start3A = arith.constant 0 : i32
    %dma_start3A_25 = arith.constant 0 : i32
    %dma_start3A_26 = arith.constant 0 : i32
    %dma_start3A_27 = tpu.memref_slice %arg7[%dma_start3A, %dma_start3A_25, %dma_start3A_26] : memref<2x96x128xi32, #tpu.memory_space<vmem>> -> memref<1x1x128xi32, #tpu.memory_space<vmem>>
    %dma_start3A_28 = tpu.memref_squeeze %dma_start3A_27 : memref<1x1x128xi32, #tpu.memory_space<vmem>> -> memref<128xi32, #tpu.memory_space<vmem>>
    %dma_start3A_29 = arith.constant 0 : i32
    %dma_start3A_30 = arith.constant 0 : i32
    %dma_start3A_31 = tpu.memref_slice %arg2[%dma_start3A_29, %dma_start3A_30] : memref<10016x128xf32, #tpu.memory_space<hbm>> -> memref<10016x128xf32, #tpu.memory_space<hbm>>
    tpu.enqueue_indirect_dma source(%dma_start3A_31 : memref<10016x128xf32, #tpu.memory_space<hbm>>) target(%arg6 : memref<128x128xf32, #tpu.memory_space<vmem>>) offsets(%dma_start3A_28 : memref<128xi32, #tpu.memory_space<vmem>>) semaphore(%arg9 : memref<!tpu.dma_semaphore, #tpu.memory_space<semaphore_mem>>)
    %sub3A_32 = arith.constant 0 : i32
    %sub3A_33 = arith.subi %select_n3A, %sub3A_32 : i32
    %sub3A_34 = arith.constant 1 : i32
    %sub3A_35 = arith.constant 1 : i32
    %sub3A_36 = arith.subi %sub3A_34, %sub3A_35 : i32
    %add3A_37 = arith.addi %sub3A_33, %sub3A_36 : i32
    %div3A_38 = arith.constant 1 : i32
    %div3A_39 = arith.divsi %add3A_37, %div3A_38 : i32
    %while3A_40 = arith.constant 1 : i32
    %while3A_41 = arith.constant 0 : i32
    %while3A_42 = arith.constant 0 : i32
    %while3A_43 = arith.subi %div3A_39, %while3A_42 : i32
    %while3A_44 = arith.addi %while3A_42, %while3A_43 : i32
    %while3A_45 = arith.constant 1 : i32
    %while3A_46 = arith.divsi %while3A_43, %while3A_45 : i32
    %while3A_47 = arith.muli %while3A_46, %while3A_45 : i32
    %while3A_48 = arith.addi %while3A_42, %while3A_47 : i32
    %while3A_49 = arith.constant 1 : i32
    scf.for %while3A_70 = %while3A_42 to %while3A_48 step %while3A_49  : i32 {
      %mul3A_71 = arith.muli %while3A_70, %while3A_40 : i32
      %add3A_72 = arith.addi %while3A_41, %mul3A_71 : i32
      %dma_wait3A = arith.constant 0 : i32
      %dma_wait3A_73 = arith.constant 0 : i32
      %dma_wait3A_74 = tpu.memref_slice %arg7[%dma_wait3A, %add3A_72, %dma_wait3A_73] : memref<2x96x128xi32, #tpu.memory_space<vmem>> -> memref<1x1x128xi32, #tpu.memory_space<vmem>>
      %dma_wait3A_75 = tpu.memref_squeeze %dma_wait3A_74 : memref<1x1x128xi32, #tpu.memory_space<vmem>> -> memref<128xi32, #tpu.memory_space<vmem>>
      %dma_wait3A_76 = arith.constant 0 : i32
      %dma_wait3A_77 = arith.constant 0 : i32
      %dma_wait3A_78 = tpu.memref_slice %arg2[%dma_wait3A_76, %dma_wait3A_77] : memref<10016x128xf32, #tpu.memory_space<hbm>> -> memref<10016x128xf32, #tpu.memory_space<hbm>>
      tpu.wait_indirect_dma semaphore(%arg9 : memref<!tpu.dma_semaphore, #tpu.memory_space<semaphore_mem>>) src(%dma_wait3A_78 : memref<10016x128xf32, #tpu.memory_space<hbm>>) dst(%arg6 : memref<128x128xf32, #tpu.memory_space<vmem>>)
      %run_scoped3A_79 = arith.constant 1 : i32
      "tpu.region"() ({
        %run_scoped3A_83 = tpu.sem_alloc : memref<!tpu.dma_semaphore, #tpu.memory_space<semaphore_mem>>
        %dma_start3A_84 = arith.constant 0 : i32
        %dma_start3A_85 = tpu.memref_slice %arg7[%run_scoped3A_79, %add3A_72, %dma_start3A_84] : memref<2x96x128xi32, #tpu.memory_space<vmem>> -> memref<1x1x128xi32, #tpu.memory_space<vmem>>
        %dma_start3A_86 = tpu.memref_squeeze %dma_start3A_85 : memref<1x1x128xi32, #tpu.memory_space<vmem>> -> memref<128xi32, #tpu.memory_space<vmem>>
        %dma_start3A_87 = arith.constant 0 : i32
        %dma_start3A_88 = arith.constant 0 : i32
        %dma_start3A_89 = tpu.memref_slice %arg8[%dma_start3A_87, %dma_start3A_88] : memref<10000x128xf32, #tpu.memory_space<vmem_shared>> -> memref<10000x128xf32, #tpu.memory_space<vmem_shared>>
        tpu.enqueue_indirect_dma source(%arg6 : memref<128x128xf32, #tpu.memory_space<vmem>>) target(%dma_start3A_89 : memref<10000x128xf32, #tpu.memory_space<vmem_shared>>) offsets(%dma_start3A_86 : memref<128xi32, #tpu.memory_space<vmem>>) semaphore(%run_scoped3A_83 : memref<!tpu.dma_semaphore, #tpu.memory_space<semaphore_mem>>) {add = true}
        %dma_wait3A_90 = arith.constant 0 : i32
        %dma_wait3A_91 = tpu.memref_slice %arg7[%run_scoped3A_79, %add3A_72, %dma_wait3A_90] : memref<2x96x128xi32, #tpu.memory_space<vmem>> -> memref<1x1x128xi32, #tpu.memory_space<vmem>>
        %dma_wait3A_92 = tpu.memref_squeeze %dma_wait3A_91 : memref<1x1x128xi32, #tpu.memory_space<vmem>> -> memref<128xi32, #tpu.memory_space<vmem>>
        %dma_wait3A_93 = arith.constant 0 : i32
        %dma_wait3A_94 = arith.constant 0 : i32
        %dma_wait3A_95 = tpu.memref_slice %arg8[%dma_wait3A_93, %dma_wait3A_94] : memref<10000x128xf32, #tpu.memory_space<vmem_shared>> -> memref<10000x128xf32, #tpu.memory_space<vmem_shared>>
        tpu.wait_indirect_dma semaphore(%run_scoped3A_83 : memref<!tpu.dma_semaphore, #tpu.memory_space<semaphore_mem>>) src(%arg6 : memref<128x128xf32, #tpu.memory_space<vmem>>) dst(%dma_wait3A_95 : memref<10000x128xf32, #tpu.memory_space<vmem_shared>>)
        tpu.yield
      }) : () -> ()
      %add3A_80 = arith.constant 1 : i32
      %add3A_81 = arith.addi %add3A_72, %add3A_80 : i32
      %lt3A = arith.cmpi slt, %add3A_81, %select_n3A : i32
      %convert_element_type3A = arith.extui %lt3A : i1 to i32
      %cond3A = arith.constant 0 : i32
      %cond3A_82 = arith.cmpi ne, %convert_element_type3A, %cond3A : i32
      scf.if %cond3A_82 {
        %add3A_83 = arith.constant 1 : i32
        %add3A_84 = arith.addi %add3A_72, %add3A_83 : i32
        %dma_start3A_85 = arith.constant 0 : i32
        %dma_start3A_86 = arith.constant 0 : i32
        %dma_start3A_87 = tpu.memref_slice %arg7[%dma_start3A_85, %add3A_84, %dma_start3A_86] : memref<2x96x128xi32, #tpu.memory_space<vmem>> -> memref<1x1x128xi32, #tpu.memory_space<vmem>>
        %dma_start3A_88 = tpu.memref_squeeze %dma_start3A_87 : memref<1x1x128xi32, #tpu.memory_space<vmem>> -> memref<128xi32, #tpu.memory_space<vmem>>
        %dma_start3A_89 = arith.constant 0 : i32
        %dma_start3A_90 = arith.constant 0 : i32
        %dma_start3A_91 = tpu.memref_slice %arg2[%dma_start3A_89, %dma_start3A_90] : memref<10016x128xf32, #tpu.memory_space<hbm>> -> memref<10016x128xf32, #tpu.memory_space<hbm>>
        tpu.enqueue_indirect_dma source(%dma_start3A_91 : memref<10016x128xf32, #tpu.memory_space<hbm>>) target(%arg6 : memref<128x128xf32, #tpu.memory_space<vmem>>) offsets(%dma_start3A_88 : memref<128xi32, #tpu.memory_space<vmem>>) semaphore(%arg9 : memref<!tpu.dma_semaphore, #tpu.memory_space<semaphore_mem>>)
      } else {
      }
    }
    %while3A_50 = arith.constant 1 : i32
    scf.for %while3A_70 = %while3A_48 to %while3A_44 step %while3A_50  : i32 {
      %mul3A_71 = arith.muli %while3A_70, %while3A_40 : i32
      %add3A_72 = arith.addi %while3A_41, %mul3A_71 : i32
      %dma_wait3A = arith.constant 0 : i32
      %dma_wait3A_73 = arith.constant 0 : i32
      %dma_wait3A_74 = tpu.memref_slice %arg7[%dma_wait3A, %add3A_72, %dma_wait3A_73] : memref<2x96x128xi32, #tpu.memory_space<vmem>> -> memref<1x1x128xi32, #tpu.memory_space<vmem>>
      %dma_wait3A_75 = tpu.memref_squeeze %dma_wait3A_74 : memref<1x1x128xi32, #tpu.memory_space<vmem>> -> memref<128xi32, #tpu.memory_space<vmem>>
      %dma_wait3A_76 = arith.constant 0 : i32
      %dma_wait3A_77 = arith.constant 0 : i32
      %dma_wait3A_78 = tpu.memref_slice %arg2[%dma_wait3A_76, %dma_wait3A_77] : memref<10016x128xf32, #tpu.memory_space<hbm>> -> memref<10016x128xf32, #tpu.memory_space<hbm>>
      tpu.wait_indirect_dma semaphore(%arg9 : memref<!tpu.dma_semaphore, #tpu.memory_space<semaphore_mem>>) src(%dma_wait3A_78 : memref<10016x128xf32, #tpu.memory_space<hbm>>) dst(%arg6 : memref<128x128xf32, #tpu.memory_space<vmem>>)
      %run_scoped3A_79 = arith.constant 1 : i32
      "tpu.region"() ({
        %run_scoped3A_83 = tpu.sem_alloc : memref<!tpu.dma_semaphore, #tpu.memory_space<semaphore_mem>>
        %dma_start3A_84 = arith.constant 0 : i32
        %dma_start3A_85 = tpu.memref_slice %arg7[%run_scoped3A_79, %add3A_72, %dma_start3A_84] : memref<2x96x128xi32, #tpu.memory_space<vmem>> -> memref<1x1x128xi32, #tpu.memory_space<vmem>>
        %dma_start3A_86 = tpu.memref_squeeze %dma_start3A_85 : memref<1x1x128xi32, #tpu.memory_space<vmem>> -> memref<128xi32, #tpu.memory_space<vmem>>
        %dma_start3A_87 = arith.constant 0 : i32
        %dma_start3A_88 = arith.constant 0 : i32
        %dma_start3A_89 = tpu.memref_slice %arg8[%dma_start3A_87, %dma_start3A_88] : memref<10000x128xf32, #tpu.memory_space<vmem_shared>> -> memref<10000x128xf32, #tpu.memory_space<vmem_shared>>
        tpu.enqueue_indirect_dma source(%arg6 : memref<128x128xf32, #tpu.memory_space<vmem>>) target(%dma_start3A_89 : memref<10000x128xf32, #tpu.memory_space<vmem_shared>>) offsets(%dma_start3A_86 : memref<128xi32, #tpu.memory_space<vmem>>) semaphore(%run_scoped3A_83 : memref<!tpu.dma_semaphore, #tpu.memory_space<semaphore_mem>>) {add = true}
        %dma_wait3A_90 = arith.constant 0 : i32
        %dma_wait3A_91 = tpu.memref_slice %arg7[%run_scoped3A_79, %add3A_72, %dma_wait3A_90] : memref<2x96x128xi32, #tpu.memory_space<vmem>> -> memref<1x1x128xi32, #tpu.memory_space<vmem>>
        %dma_wait3A_92 = tpu.memref_squeeze %dma_wait3A_91 : memref<1x1x128xi32, #tpu.memory_space<vmem>> -> memref<128xi32, #tpu.memory_space<vmem>>
        %dma_wait3A_93 = arith.constant 0 : i32
        %dma_wait3A_94 = arith.constant 0 : i32
        %dma_wait3A_95 = tpu.memref_slice %arg8[%dma_wait3A_93, %dma_wait3A_94] : memref<10000x128xf32, #tpu.memory_space<vmem_shared>> -> memref<10000x128xf32, #tpu.memory_space<vmem_shared>>
        tpu.wait_indirect_dma semaphore(%run_scoped3A_83 : memref<!tpu.dma_semaphore, #tpu.memory_space<semaphore_mem>>) src(%arg6 : memref<128x128xf32, #tpu.memory_space<vmem>>) dst(%dma_wait3A_95 : memref<10000x128xf32, #tpu.memory_space<vmem_shared>>)
        tpu.yield
      }) : () -> ()
      %add3A_80 = arith.constant 1 : i32
      %add3A_81 = arith.addi %add3A_72, %add3A_80 : i32
      %lt3A = arith.cmpi slt, %add3A_81, %select_n3A : i32
      %convert_element_type3A = arith.extui %lt3A : i1 to i32
      %cond3A = arith.constant 0 : i32
      %cond3A_82 = arith.cmpi ne, %convert_element_type3A, %cond3A : i32
      scf.if %cond3A_82 {
        %add3A_83 = arith.constant 1 : i32
        %add3A_84 = arith.addi %add3A_72, %add3A_83 : i32
        %dma_start3A_85 = arith.constant 0 : i32
        %dma_start3A_86 = arith.constant 0 : i32
        %dma_start3A_87 = tpu.memref_slice %arg7[%dma_start3A_85, %add3A_84, %dma_start3A_86] : memref<2x96x128xi32, #tpu.memory_space<vmem>> -> memref<1x1x128xi32, #tpu.memory_space<vmem>>
        %dma_start3A_88 = tpu.memref_squeeze %dma_start3A_87 : memref<1x1x128xi32, #tpu.memory_space<vmem>> -> memref<128xi32, #tpu.memory_space<vmem>>
        %dma_start3A_89 = arith.constant 0 : i32
        %dma_start3A_90 = arith.constant 0 : i32
        %dma_start3A_91 = tpu.memref_slice %arg2[%dma_start3A_89, %dma_start3A_90] : memref<10016x128xf32, #tpu.memory_space<hbm>> -> memref<10016x128xf32, #tpu.memory_space<hbm>>
        tpu.enqueue_indirect_dma source(%dma_start3A_91 : memref<10016x128xf32, #tpu.memory_space<hbm>>) target(%arg6 : memref<128x128xf32, #tpu.memory_space<vmem>>) offsets(%dma_start3A_88 : memref<128xi32, #tpu.memory_space<vmem>>) semaphore(%arg9 : memref<!tpu.dma_semaphore, #tpu.memory_space<semaphore_mem>>)
      } else {
      }
    }
    %barrier3A_51 = arith.constant 0 : index
    tpu.barrier barrier_id(%barrier3A_51)
    %sub3A_52 = arith.constant 25 : i32
    %sub3A_53 = arith.subi %sub3A_52, %arg1 : i32
    %sub3A_54 = arith.constant 16 : i32
    %sub3A_55 = arith.constant 1 : i32
    %sub3A_56 = arith.subi %sub3A_54, %sub3A_55 : i32
    %add3A_57 = arith.addi %sub3A_53, %sub3A_56 : i32
    %div3A_58 = arith.constant 16 : i32
    %div3A_59 = arith.divsi %add3A_57, %div3A_58 : i32
    %while3A_60 = arith.constant 16 : i32
    %while3A_61 = arith.constant 0 : i32
    %while3A_62 = arith.subi %div3A_59, %while3A_61 : i32
    %while3A_63 = arith.addi %while3A_61, %while3A_62 : i32
    %while3A_64 = arith.constant 1 : i32
    %while3A_65 = arith.divsi %while3A_62, %while3A_64 : i32
    %while3A_66 = arith.muli %while3A_65, %while3A_64 : i32
    %while3A_67 = arith.addi %while3A_61, %while3A_66 : i32
    %while3A_68 = arith.constant 1 : i32
    scf.for %while3A_70 = %while3A_61 to %while3A_67 step %while3A_68  : i32 {
      %mul3A_71 = arith.muli %while3A_70, %while3A_60 : i32
      %add3A_72 = arith.addi %arg1, %mul3A_71 : i32
      %mul3A_73 = arith.constant 400 : i32
      %mul3A_74 = arith.muli %add3A_72, %mul3A_73 : i32
      %mul3A_75 = arith.constant 400 : i32
      %mul3A_76 = arith.muli %add3A_72, %mul3A_75 : i32
      "tpu.region"() ({
        %run_scoped3A_77 = tpu.sem_alloc : memref<!tpu.dma_semaphore, #tpu.memory_space<semaphore_mem>>
        %dma_start3A_78 = arith.constant 0 : i32
        %dma_start3A_79 = tpu.memref_slice %arg5[%arg0, %mul3A_76, %dma_start3A_78] : memref<2x10000x128xf32, #tpu.memory_space<hbm>> -> memref<1x400x128xf32, #tpu.memory_space<hbm>>
        %dma_start3A_80 = tpu.memref_squeeze %dma_start3A_79 : memref<1x400x128xf32, #tpu.memory_space<hbm>> -> memref<400x128xf32, #tpu.memory_space<hbm>>
        %dma_start3A_81 = arith.constant 0 : i32
        %dma_start3A_82 = tpu.memref_slice %arg8[%mul3A_74, %dma_start3A_81] : memref<10000x128xf32, #tpu.memory_space<vmem_shared>> -> memref<400x128xf32, #tpu.memory_space<vmem_shared>>
        tpu.enqueue_dma source(%dma_start3A_82 : memref<400x128xf32, #tpu.memory_space<vmem_shared>>) target(%dma_start3A_80 : memref<400x128xf32, #tpu.memory_space<hbm>>) target_semaphore(%run_scoped3A_77 : memref<!tpu.dma_semaphore, #tpu.memory_space<semaphore_mem>>)
        %dma_wait3A = arith.constant 0 : i32
        %dma_wait3A_83 = tpu.memref_slice %arg5[%arg0, %mul3A_76, %dma_wait3A] : memref<2x10000x128xf32, #tpu.memory_space<hbm>> -> memref<1x400x128xf32, #tpu.memory_space<hbm>>
        %dma_wait3A_84 = tpu.memref_squeeze %dma_wait3A_83 : memref<1x400x128xf32, #tpu.memory_space<hbm>> -> memref<400x128xf32, #tpu.memory_space<hbm>>
        %dma_wait3A_85 = arith.constant 0 : i32
        %dma_wait3A_86 = tpu.memref_slice %arg8[%mul3A_74, %dma_wait3A_85] : memref<10000x128xf32, #tpu.memory_space<vmem_shared>> -> memref<400x128xf32, #tpu.memory_space<vmem_shared>>
        tpu.wait_dma2 semaphore(%run_scoped3A_77 : memref<!tpu.dma_semaphore, #tpu.memory_space<semaphore_mem>>) src(%dma_wait3A_86 : memref<400x128xf32, #tpu.memory_space<vmem_shared>>) dst(%dma_wait3A_84 : memref<400x128xf32, #tpu.memory_space<hbm>>)
        tpu.yield
      }) : () -> ()
    }
    %while3A_69 = arith.constant 1 : i32
    scf.for %while3A_70 = %while3A_67 to %while3A_63 step %while3A_69  : i32 {
      %mul3A_71 = arith.muli %while3A_70, %while3A_60 : i32
      %add3A_72 = arith.addi %arg1, %mul3A_71 : i32
      %mul3A_73 = arith.constant 400 : i32
      %mul3A_74 = arith.muli %add3A_72, %mul3A_73 : i32
      %mul3A_75 = arith.constant 400 : i32
      %mul3A_76 = arith.muli %add3A_72, %mul3A_75 : i32
      "tpu.region"() ({
        %run_scoped3A_77 = tpu.sem_alloc : memref<!tpu.dma_semaphore, #tpu.memory_space<semaphore_mem>>
        %dma_start3A_78 = arith.constant 0 : i32
        %dma_start3A_79 = tpu.memref_slice %arg5[%arg0, %mul3A_76, %dma_start3A_78] : memref<2x10000x128xf32, #tpu.memory_space<hbm>> -> memref<1x400x128xf32, #tpu.memory_space<hbm>>
        %dma_start3A_80 = tpu.memref_squeeze %dma_start3A_79 : memref<1x400x128xf32, #tpu.memory_space<hbm>> -> memref<400x128xf32, #tpu.memory_space<hbm>>
        %dma_start3A_81 = arith.constant 0 : i32
        %dma_start3A_82 = tpu.memref_slice %arg8[%mul3A_74, %dma_start3A_81] : memref<10000x128xf32, #tpu.memory_space<vmem_shared>> -> memref<400x128xf32, #tpu.memory_space<vmem_shared>>
        tpu.enqueue_dma source(%dma_start3A_82 : memref<400x128xf32, #tpu.memory_space<vmem_shared>>) target(%dma_start3A_80 : memref<400x128xf32, #tpu.memory_space<hbm>>) target_semaphore(%run_scoped3A_77 : memref<!tpu.dma_semaphore, #tpu.memory_space<semaphore_mem>>)
        %dma_wait3A = arith.constant 0 : i32
        %dma_wait3A_83 = tpu.memref_slice %arg5[%arg0, %mul3A_76, %dma_wait3A] : memref<2x10000x128xf32, #tpu.memory_space<hbm>> -> memref<1x400x128xf32, #tpu.memory_space<hbm>>
        %dma_wait3A_84 = tpu.memref_squeeze %dma_wait3A_83 : memref<1x400x128xf32, #tpu.memory_space<hbm>> -> memref<400x128xf32, #tpu.memory_space<hbm>>
        %dma_wait3A_85 = arith.constant 0 : i32
        %dma_wait3A_86 = tpu.memref_slice %arg8[%mul3A_74, %dma_wait3A_85] : memref<10000x128xf32, #tpu.memory_space<vmem_shared>> -> memref<400x128xf32, #tpu.memory_space<vmem_shared>>
        tpu.wait_dma2 semaphore(%run_scoped3A_77 : memref<!tpu.dma_semaphore, #tpu.memory_space<semaphore_mem>>) src(%dma_wait3A_86 : memref<400x128xf32, #tpu.memory_space<vmem_shared>>) dst(%dma_wait3A_84 : memref<400x128xf32, #tpu.memory_space<hbm>>)
        tpu.yield
      }) : () -> ()
    }
    return
  }
}

#map = affine_map<(d0, d1) -> (0, 0)>
#map1 = affine_map<(d0, d1) -> (0, 0, 0)>
module attributes {stable_mosaic.version = 14 : i64} {
  func.func @k(%arg0: i32, %arg1: i32, %arg2: memref<10016x128xf32, #tpu.memory_space<hbm>>, %arg3: memref<64x96x128xi32, #tpu.memory_space<hbm>>, %arg4: memref<400x128xf32, #tpu.memory_space<hbm>>, %arg5: memref<2x10000x128xf32, #tpu.memory_space<hbm>>, %arg6: memref<128x128xf32, #tpu.memory_space<vmem>>, %arg7: memref<2x96x128xi32, #tpu.memory_space<vmem>>, %arg8: memref<10000x128xf32, #tpu.memory_space<vmem_shared>>, %arg9: memref<!tpu.dma_semaphore, #tpu.memory_space<semaphore_mem>>) attributes {dimension_semantics = [#tpu.dimension_semantics<core_parallel>, #tpu.dimension_semantics<subcore_parallel>], iteration_bounds = array<i64: 2, 16>, scalar_prefetch = 0 : i64, scratch_operands = 4 : i64, tpu.core_type = #tpu.core_type<sc_vector_subcore>, window_params = [{transform_indices = #map}, {transform_indices = #map1}, {transform_indices = #map}, {transform_indices = #map1}]} {
    %mul3A = arith.constant 16 : i32
    %mul3A_0 = arith.muli %arg0, %mul3A : i32
    %add3A = arith.addi %mul3A_0, %arg1 : i32
    %mul3A_1 = arith.constant 2 : i32
    %mul3A_2 = arith.muli %add3A, %mul3A_1 : i32
    %run_scoped3A = arith.constant 0 : i32
    "tpu.region"() ({
      %run_scoped3A_70 = tpu.sem_alloc : memref<!tpu.dma_semaphore, #tpu.memory_space<semaphore_mem>>
      %dma_start3A_71 = arith.constant 0 : i32
      %dma_start3A_72 = arith.constant 0 : i32
      %dma_start3A_73 = tpu.memref_slice %arg7[%run_scoped3A, %dma_start3A_71, %dma_start3A_72] : memref<2x96x128xi32, #tpu.memory_space<vmem>> -> memref<1x96x128xi32, #tpu.memory_space<vmem>>
      %dma_start3A_74 = tpu.memref_squeeze %dma_start3A_73 : memref<1x96x128xi32, #tpu.memory_space<vmem>> -> memref<96x128xi32, #tpu.memory_space<vmem>>
      %dma_start3A_75 = arith.constant 0 : i32
      %dma_start3A_76 = arith.constant 0 : i32
      %dma_start3A_77 = tpu.memref_slice %arg3[%mul3A_2, %dma_start3A_75, %dma_start3A_76] : memref<64x96x128xi32, #tpu.memory_space<hbm>> -> memref<1x96x128xi32, #tpu.memory_space<hbm>>
      %dma_start3A_78 = tpu.memref_squeeze %dma_start3A_77 : memref<1x96x128xi32, #tpu.memory_space<hbm>> -> memref<96x128xi32, #tpu.memory_space<hbm>>
      %dma_start3A_79 = arith.constant 0 : i32
      %dma_start3A_80 = arith.constant 0 : i32
      %dma_start3A_81 = tpu.memref_slice %arg7[%run_scoped3A, %dma_start3A_79, %dma_start3A_80] : memref<2x96x128xi32, #tpu.memory_space<vmem>> -> memref<1x96x128xi32, #tpu.memory_space<vmem>>
      %dma_start3A_82 = tpu.memref_squeeze %dma_start3A_81 : memref<1x96x128xi32, #tpu.memory_space<vmem>> -> memref<96x128xi32, #tpu.memory_space<vmem>>
      %dma_start3A_83 = arith.constant 0 : i32
      %dma_start3A_84 = arith.constant 0 : i32
      %dma_start3A_85 = tpu.memref_slice %arg3[%mul3A_2, %dma_start3A_83, %dma_start3A_84] : memref<64x96x128xi32, #tpu.memory_space<hbm>> -> memref<1x96x128xi32, #tpu.memory_space<hbm>>
      %dma_start3A_86 = tpu.memref_squeeze %dma_start3A_85 : memref<1x96x128xi32, #tpu.memory_space<hbm>> -> memref<96x128xi32, #tpu.memory_space<hbm>>
      tpu.enqueue_dma source(%dma_start3A_86 : memref<96x128xi32, #tpu.memory_space<hbm>>) target(%dma_start3A_82 : memref<96x128xi32, #tpu.memory_space<vmem>>) target_semaphore(%run_scoped3A_70 : memref<!tpu.dma_semaphore, #tpu.memory_space<semaphore_mem>>)
      %dma_wait3A = arith.constant 0 : i32
      %dma_wait3A_87 = arith.constant 0 : i32
      %dma_wait3A_88 = tpu.memref_slice %arg7[%run_scoped3A, %dma_wait3A, %dma_wait3A_87] : memref<2x96x128xi32, #tpu.memory_space<vmem>> -> memref<1x96x128xi32, #tpu.memory_space<vmem>>
      %dma_wait3A_89 = tpu.memref_squeeze %dma_wait3A_88 : memref<1x96x128xi32, #tpu.memory_space<vmem>> -> memref<96x128xi32, #tpu.memory_space<vmem>>
      %dma_wait3A_90 = arith.constant 0 : i32
      %dma_wait3A_91 = arith.constant 0 : i32
      %dma_wait3A_92 = tpu.memref_slice %arg3[%mul3A_2, %dma_wait3A_90, %dma_wait3A_91] : memref<64x96x128xi32, #tpu.memory_space<hbm>> -> memref<1x96x128xi32, #tpu.memory_space<hbm>>
      %dma_wait3A_93 = tpu.memref_squeeze %dma_wait3A_92 : memref<1x96x128xi32, #tpu.memory_space<hbm>> -> memref<96x128xi32, #tpu.memory_space<hbm>>
      %dma_wait3A_94 = arith.constant 0 : i32
      %dma_wait3A_95 = arith.constant 0 : i32
      %dma_wait3A_96 = tpu.memref_slice %arg7[%run_scoped3A, %dma_wait3A_94, %dma_wait3A_95] : memref<2x96x128xi32, #tpu.memory_space<vmem>> -> memref<1x96x128xi32, #tpu.memory_space<vmem>>
      %dma_wait3A_97 = tpu.memref_squeeze %dma_wait3A_96 : memref<1x96x128xi32, #tpu.memory_space<vmem>> -> memref<96x128xi32, #tpu.memory_space<vmem>>
      %dma_wait3A_98 = arith.constant 0 : i32
      %dma_wait3A_99 = arith.constant 0 : i32
      %dma_wait3A_100 = tpu.memref_slice %arg3[%mul3A_2, %dma_wait3A_98, %dma_wait3A_99] : memref<64x96x128xi32, #tpu.memory_space<hbm>> -> memref<1x96x128xi32, #tpu.memory_space<hbm>>
      %dma_wait3A_101 = tpu.memref_squeeze %dma_wait3A_100 : memref<1x96x128xi32, #tpu.memory_space<hbm>> -> memref<96x128xi32, #tpu.memory_space<hbm>>
      tpu.wait_dma2 semaphore(%run_scoped3A_70 : memref<!tpu.dma_semaphore, #tpu.memory_space<semaphore_mem>>) src(%dma_wait3A_101 : memref<96x128xi32, #tpu.memory_space<hbm>>) dst(%dma_wait3A_97 : memref<96x128xi32, #tpu.memory_space<vmem>>)
      tpu.yield
    }) : () -> ()
    %mul3A_3 = arith.constant 2 : i32
    %mul3A_4 = arith.muli %add3A, %mul3A_3 : i32
    %add3A_5 = arith.constant 1 : i32
    %add3A_6 = arith.addi %mul3A_4, %add3A_5 : i32
    %run_scoped3A_7 = arith.constant 1 : i32
    "tpu.region"() ({
      %run_scoped3A_70 = tpu.sem_alloc : memref<!tpu.dma_semaphore, #tpu.memory_space<semaphore_mem>>
      %dma_start3A_71 = arith.constant 0 : i32
      %dma_start3A_72 = arith.constant 0 : i32
      %dma_start3A_73 = tpu.memref_slice %arg7[%run_scoped3A_7, %dma_start3A_71, %dma_start3A_72] : memref<2x96x128xi32, #tpu.memory_space<vmem>> -> memref<1x96x128xi32, #tpu.memory_space<vmem>>
      %dma_start3A_74 = tpu.memref_squeeze %dma_start3A_73 : memref<1x96x128xi32, #tpu.memory_space<vmem>> -> memref<96x128xi32, #tpu.memory_space<vmem>>
      %dma_start3A_75 = arith.constant 0 : i32
      %dma_start3A_76 = arith.constant 0 : i32
      %dma_start3A_77 = tpu.memref_slice %arg3[%add3A_6, %dma_start3A_75, %dma_start3A_76] : memref<64x96x128xi32, #tpu.memory_space<hbm>> -> memref<1x96x128xi32, #tpu.memory_space<hbm>>
      %dma_start3A_78 = tpu.memref_squeeze %dma_start3A_77 : memref<1x96x128xi32, #tpu.memory_space<hbm>> -> memref<96x128xi32, #tpu.memory_space<hbm>>
      %dma_start3A_79 = arith.constant 0 : i32
      %dma_start3A_80 = arith.constant 0 : i32
      %dma_start3A_81 = tpu.memref_slice %arg7[%run_scoped3A_7, %dma_start3A_79, %dma_start3A_80] : memref<2x96x128xi32, #tpu.memory_space<vmem>> -> memref<1x96x128xi32, #tpu.memory_space<vmem>>
      %dma_start3A_82 = tpu.memref_squeeze %dma_start3A_81 : memref<1x96x128xi32, #tpu.memory_space<vmem>> -> memref<96x128xi32, #tpu.memory_space<vmem>>
      %dma_start3A_83 = arith.constant 0 : i32
      %dma_start3A_84 = arith.constant 0 : i32
      %dma_start3A_85 = tpu.memref_slice %arg3[%add3A_6, %dma_start3A_83, %dma_start3A_84] : memref<64x96x128xi32, #tpu.memory_space<hbm>> -> memref<1x96x128xi32, #tpu.memory_space<hbm>>
      %dma_start3A_86 = tpu.memref_squeeze %dma_start3A_85 : memref<1x96x128xi32, #tpu.memory_space<hbm>> -> memref<96x128xi32, #tpu.memory_space<hbm>>
      tpu.enqueue_dma source(%dma_start3A_86 : memref<96x128xi32, #tpu.memory_space<hbm>>) target(%dma_start3A_82 : memref<96x128xi32, #tpu.memory_space<vmem>>) target_semaphore(%run_scoped3A_70 : memref<!tpu.dma_semaphore, #tpu.memory_space<semaphore_mem>>)
      %dma_wait3A = arith.constant 0 : i32
      %dma_wait3A_87 = arith.constant 0 : i32
      %dma_wait3A_88 = tpu.memref_slice %arg7[%run_scoped3A_7, %dma_wait3A, %dma_wait3A_87] : memref<2x96x128xi32, #tpu.memory_space<vmem>> -> memref<1x96x128xi32, #tpu.memory_space<vmem>>
      %dma_wait3A_89 = tpu.memref_squeeze %dma_wait3A_88 : memref<1x96x128xi32, #tpu.memory_space<vmem>> -> memref<96x128xi32, #tpu.memory_space<vmem>>
      %dma_wait3A_90 = arith.constant 0 : i32
      %dma_wait3A_91 = arith.constant 0 : i32
      %dma_wait3A_92 = tpu.memref_slice %arg3[%add3A_6, %dma_wait3A_90, %dma_wait3A_91] : memref<64x96x128xi32, #tpu.memory_space<hbm>> -> memref<1x96x128xi32, #tpu.memory_space<hbm>>
      %dma_wait3A_93 = tpu.memref_squeeze %dma_wait3A_92 : memref<1x96x128xi32, #tpu.memory_space<hbm>> -> memref<96x128xi32, #tpu.memory_space<hbm>>
      %dma_wait3A_94 = arith.constant 0 : i32
      %dma_wait3A_95 = arith.constant 0 : i32
      %dma_wait3A_96 = tpu.memref_slice %arg7[%run_scoped3A_7, %dma_wait3A_94, %dma_wait3A_95] : memref<2x96x128xi32, #tpu.memory_space<vmem>> -> memref<1x96x128xi32, #tpu.memory_space<vmem>>
      %dma_wait3A_97 = tpu.memref_squeeze %dma_wait3A_96 : memref<1x96x128xi32, #tpu.memory_space<vmem>> -> memref<96x128xi32, #tpu.memory_space<vmem>>
      %dma_wait3A_98 = arith.constant 0 : i32
      %dma_wait3A_99 = arith.constant 0 : i32
      %dma_wait3A_100 = tpu.memref_slice %arg3[%add3A_6, %dma_wait3A_98, %dma_wait3A_99] : memref<64x96x128xi32, #tpu.memory_space<hbm>> -> memref<1x96x128xi32, #tpu.memory_space<hbm>>
      %dma_wait3A_101 = tpu.memref_squeeze %dma_wait3A_100 : memref<1x96x128xi32, #tpu.memory_space<hbm>> -> memref<96x128xi32, #tpu.memory_space<hbm>>
      tpu.wait_dma2 semaphore(%run_scoped3A_70 : memref<!tpu.dma_semaphore, #tpu.memory_space<semaphore_mem>>) src(%dma_wait3A_101 : memref<96x128xi32, #tpu.memory_space<hbm>>) dst(%dma_wait3A_97 : memref<96x128xi32, #tpu.memory_space<vmem>>)
      tpu.yield
    }) : () -> ()
    %sub3A = arith.constant 25 : i32
    %sub3A_8 = arith.subi %sub3A, %arg1 : i32
    %sub3A_9 = arith.constant 16 : i32
    %sub3A_10 = arith.constant 1 : i32
    %sub3A_11 = arith.subi %sub3A_9, %sub3A_10 : i32
    %add3A_12 = arith.addi %sub3A_8, %sub3A_11 : i32
    %div3A = arith.constant 16 : i32
    %div3A_13 = arith.divsi %add3A_12, %div3A : i32
    %while3A = arith.constant 16 : i32
    %while3A_14 = arith.constant 0 : i32
    %while3A_15 = arith.subi %div3A_13, %while3A_14 : i32
    %while3A_16 = arith.addi %while3A_14, %while3A_15 : i32
    %while3A_17 = arith.constant 1 : i32
    %while3A_18 = arith.divsi %while3A_15, %while3A_17 : i32
    %while3A_19 = arith.muli %while3A_18, %while3A_17 : i32
    %while3A_20 = arith.addi %while3A_14, %while3A_19 : i32
    %while3A_21 = arith.constant 1 : i32
    scf.for %while3A_70 = %while3A_14 to %while3A_20 step %while3A_21  : i32 {
      %mul3A_71 = arith.muli %while3A_70, %while3A : i32
      %add3A_72 = arith.addi %arg1, %mul3A_71 : i32
      %mul3A_73 = arith.constant 400 : i32
      %mul3A_74 = arith.muli %add3A_72, %mul3A_73 : i32
      "tpu.region"() ({
        %run_scoped3A_75 = tpu.sem_alloc : memref<!tpu.dma_semaphore, #tpu.memory_space<semaphore_mem>>
        %dma_start3A_76 = arith.constant 0 : i32
        %dma_start3A_77 = tpu.memref_slice %arg8[%mul3A_74, %dma_start3A_76] : memref<10000x128xf32, #tpu.memory_space<vmem_shared>> -> memref<400x128xf32, #tpu.memory_space<vmem_shared>>
        tpu.enqueue_dma source(%arg4 : memref<400x128xf32, #tpu.memory_space<hbm>>) target(%dma_start3A_77 : memref<400x128xf32, #tpu.memory_space<vmem_shared>>) target_semaphore(%run_scoped3A_75 : memref<!tpu.dma_semaphore, #tpu.memory_space<semaphore_mem>>)
        %dma_wait3A = arith.constant 0 : i32
        %dma_wait3A_78 = tpu.memref_slice %arg8[%mul3A_74, %dma_wait3A] : memref<10000x128xf32, #tpu.memory_space<vmem_shared>> -> memref<400x128xf32, #tpu.memory_space<vmem_shared>>
        tpu.wait_dma2 semaphore(%run_scoped3A_75 : memref<!tpu.dma_semaphore, #tpu.memory_space<semaphore_mem>>) src(%arg4 : memref<400x128xf32, #tpu.memory_space<hbm>>) dst(%dma_wait3A_78 : memref<400x128xf32, #tpu.memory_space<vmem_shared>>)
        tpu.yield
      }) : () -> ()
    }
    %while3A_22 = arith.constant 1 : i32
    scf.for %while3A_70 = %while3A_20 to %while3A_16 step %while3A_22  : i32 {
      %mul3A_71 = arith.muli %while3A_70, %while3A : i32
      %add3A_72 = arith.addi %arg1, %mul3A_71 : i32
      %mul3A_73 = arith.constant 400 : i32
      %mul3A_74 = arith.muli %add3A_72, %mul3A_73 : i32
      "tpu.region"() ({
        %run_scoped3A_75 = tpu.sem_alloc : memref<!tpu.dma_semaphore, #tpu.memory_space<semaphore_mem>>
        %dma_start3A_76 = arith.constant 0 : i32
        %dma_start3A_77 = tpu.memref_slice %arg8[%mul3A_74, %dma_start3A_76] : memref<10000x128xf32, #tpu.memory_space<vmem_shared>> -> memref<400x128xf32, #tpu.memory_space<vmem_shared>>
        tpu.enqueue_dma source(%arg4 : memref<400x128xf32, #tpu.memory_space<hbm>>) target(%dma_start3A_77 : memref<400x128xf32, #tpu.memory_space<vmem_shared>>) target_semaphore(%run_scoped3A_75 : memref<!tpu.dma_semaphore, #tpu.memory_space<semaphore_mem>>)
        %dma_wait3A = arith.constant 0 : i32
        %dma_wait3A_78 = tpu.memref_slice %arg8[%mul3A_74, %dma_wait3A] : memref<10000x128xf32, #tpu.memory_space<vmem_shared>> -> memref<400x128xf32, #tpu.memory_space<vmem_shared>>
        tpu.wait_dma2 semaphore(%run_scoped3A_75 : memref<!tpu.dma_semaphore, #tpu.memory_space<semaphore_mem>>) src(%arg4 : memref<400x128xf32, #tpu.memory_space<hbm>>) dst(%dma_wait3A_78 : memref<400x128xf32, #tpu.memory_space<vmem_shared>>)
        tpu.yield
      }) : () -> ()
    }
    %barrier3A = arith.constant 0 : index
    tpu.barrier barrier_id(%barrier3A)
    %eq3A = arith.constant 0 : i32
    %eq3A_23 = arith.cmpi eq, %arg0, %eq3A : i32
    %jit3A = arith.constant 96 : i32
    %jit3A_24 = arith.constant 61 : i32
    %select_n3A = arith.select %eq3A_23, %jit3A, %jit3A_24 : i32
    %dma_start3A = arith.constant 0 : i32
    %dma_start3A_25 = arith.constant 0 : i32
    %dma_start3A_26 = arith.constant 0 : i32
    %dma_start3A_27 = tpu.memref_slice %arg7[%dma_start3A, %dma_start3A_25, %dma_start3A_26] : memref<2x96x128xi32, #tpu.memory_space<vmem>> -> memref<1x1x128xi32, #tpu.memory_space<vmem>>
    %dma_start3A_28 = tpu.memref_squeeze %dma_start3A_27 : memref<1x1x128xi32, #tpu.memory_space<vmem>> -> memref<128xi32, #tpu.memory_space<vmem>>
    %dma_start3A_29 = arith.constant 0 : i32
    %dma_start3A_30 = arith.constant 0 : i32
    %dma_start3A_31 = tpu.memref_slice %arg2[%dma_start3A_29, %dma_start3A_30] : memref<10016x128xf32, #tpu.memory_space<hbm>> -> memref<10016x128xf32, #tpu.memory_space<hbm>>
    tpu.enqueue_indirect_dma source(%dma_start3A_31 : memref<10016x128xf32, #tpu.memory_space<hbm>>) target(%arg6 : memref<128x128xf32, #tpu.memory_space<vmem>>) offsets(%dma_start3A_28 : memref<128xi32, #tpu.memory_space<vmem>>) semaphore(%arg9 : memref<!tpu.dma_semaphore, #tpu.memory_space<semaphore_mem>>)
    %sub3A_32 = arith.constant 0 : i32
    %sub3A_33 = arith.subi %select_n3A, %sub3A_32 : i32
    %sub3A_34 = arith.constant 1 : i32
    %sub3A_35 = arith.constant 1 : i32
    %sub3A_36 = arith.subi %sub3A_34, %sub3A_35 : i32
    %add3A_37 = arith.addi %sub3A_33, %sub3A_36 : i32
    %div3A_38 = arith.constant 1 : i32
    %div3A_39 = arith.divsi %add3A_37, %div3A_38 : i32
    %while3A_40 = arith.constant 1 : i32
    %while3A_41 = arith.constant 0 : i32
    %while3A_42 = arith.constant 0 : i32
    %while3A_43 = arith.subi %div3A_39, %while3A_42 : i32
    %while3A_44 = arith.addi %while3A_42, %while3A_43 : i32
    %while3A_45 = arith.constant 1 : i32
    %while3A_46 = arith.divsi %while3A_43, %while3A_45 : i32
    %while3A_47 = arith.muli %while3A_46, %while3A_45 : i32
    %while3A_48 = arith.addi %while3A_42, %while3A_47 : i32
    %while3A_49 = arith.constant 1 : i32
    scf.for %while3A_70 = %while3A_42 to %while3A_48 step %while3A_49  : i32 {
      %mul3A_71 = arith.muli %while3A_70, %while3A_40 : i32
      %add3A_72 = arith.addi %while3A_41, %mul3A_71 : i32
      %dma_wait3A = arith.constant 0 : i32
      %dma_wait3A_73 = arith.constant 0 : i32
      %dma_wait3A_74 = tpu.memref_slice %arg7[%dma_wait3A, %add3A_72, %dma_wait3A_73] : memref<2x96x128xi32, #tpu.memory_space<vmem>> -> memref<1x1x128xi32, #tpu.memory_space<vmem>>
      %dma_wait3A_75 = tpu.memref_squeeze %dma_wait3A_74 : memref<1x1x128xi32, #tpu.memory_space<vmem>> -> memref<128xi32, #tpu.memory_space<vmem>>
      %dma_wait3A_76 = arith.constant 0 : i32
      %dma_wait3A_77 = arith.constant 0 : i32
      %dma_wait3A_78 = tpu.memref_slice %arg2[%dma_wait3A_76, %dma_wait3A_77] : memref<10016x128xf32, #tpu.memory_space<hbm>> -> memref<10016x128xf32, #tpu.memory_space<hbm>>
      tpu.wait_indirect_dma semaphore(%arg9 : memref<!tpu.dma_semaphore, #tpu.memory_space<semaphore_mem>>) src(%dma_wait3A_78 : memref<10016x128xf32, #tpu.memory_space<hbm>>) dst(%arg6 : memref<128x128xf32, #tpu.memory_space<vmem>>)
      %run_scoped3A_79 = arith.constant 1 : i32
      "tpu.region"() ({
        %run_scoped3A_83 = tpu.sem_alloc : memref<!tpu.dma_semaphore, #tpu.memory_space<semaphore_mem>>
        %dma_start3A_84 = arith.constant 0 : i32
        %dma_start3A_85 = tpu.memref_slice %arg7[%run_scoped3A_79, %add3A_72, %dma_start3A_84] : memref<2x96x128xi32, #tpu.memory_space<vmem>> -> memref<1x1x128xi32, #tpu.memory_space<vmem>>
        %dma_start3A_86 = tpu.memref_squeeze %dma_start3A_85 : memref<1x1x128xi32, #tpu.memory_space<vmem>> -> memref<128xi32, #tpu.memory_space<vmem>>
        %dma_start3A_87 = arith.constant 0 : i32
        %dma_start3A_88 = arith.constant 0 : i32
        %dma_start3A_89 = tpu.memref_slice %arg8[%dma_start3A_87, %dma_start3A_88] : memref<10000x128xf32, #tpu.memory_space<vmem_shared>> -> memref<10000x128xf32, #tpu.memory_space<vmem_shared>>
        tpu.enqueue_indirect_dma source(%arg6 : memref<128x128xf32, #tpu.memory_space<vmem>>) target(%dma_start3A_89 : memref<10000x128xf32, #tpu.memory_space<vmem_shared>>) offsets(%dma_start3A_86 : memref<128xi32, #tpu.memory_space<vmem>>) semaphore(%run_scoped3A_83 : memref<!tpu.dma_semaphore, #tpu.memory_space<semaphore_mem>>) {add = true}
        %dma_wait3A_90 = arith.constant 0 : i32
        %dma_wait3A_91 = tpu.memref_slice %arg7[%run_scoped3A_79, %add3A_72, %dma_wait3A_90] : memref<2x96x128xi32, #tpu.memory_space<vmem>> -> memref<1x1x128xi32, #tpu.memory_space<vmem>>
        %dma_wait3A_92 = tpu.memref_squeeze %dma_wait3A_91 : memref<1x1x128xi32, #tpu.memory_space<vmem>> -> memref<128xi32, #tpu.memory_space<vmem>>
        %dma_wait3A_93 = arith.constant 0 : i32
        %dma_wait3A_94 = arith.constant 0 : i32
        %dma_wait3A_95 = tpu.memref_slice %arg8[%dma_wait3A_93, %dma_wait3A_94] : memref<10000x128xf32, #tpu.memory_space<vmem_shared>> -> memref<10000x128xf32, #tpu.memory_space<vmem_shared>>
        tpu.wait_indirect_dma semaphore(%run_scoped3A_83 : memref<!tpu.dma_semaphore, #tpu.memory_space<semaphore_mem>>) src(%arg6 : memref<128x128xf32, #tpu.memory_space<vmem>>) dst(%dma_wait3A_95 : memref<10000x128xf32, #tpu.memory_space<vmem_shared>>)
        tpu.yield
      }) : () -> ()
      %add3A_80 = arith.constant 1 : i32
      %add3A_81 = arith.addi %add3A_72, %add3A_80 : i32
      %lt3A = arith.cmpi slt, %add3A_81, %select_n3A : i32
      %convert_element_type3A = arith.extui %lt3A : i1 to i32
      %cond3A = arith.constant 0 : i32
      %cond3A_82 = arith.cmpi ne, %convert_element_type3A, %cond3A : i32
      scf.if %cond3A_82 {
        %add3A_83 = arith.constant 1 : i32
        %add3A_84 = arith.addi %add3A_72, %add3A_83 : i32
        %dma_start3A_85 = arith.constant 0 : i32
        %dma_start3A_86 = arith.constant 0 : i32
        %dma_start3A_87 = tpu.memref_slice %arg7[%dma_start3A_85, %add3A_84, %dma_start3A_86] : memref<2x96x128xi32, #tpu.memory_space<vmem>> -> memref<1x1x128xi32, #tpu.memory_space<vmem>>
        %dma_start3A_88 = tpu.memref_squeeze %dma_start3A_87 : memref<1x1x128xi32, #tpu.memory_space<vmem>> -> memref<128xi32, #tpu.memory_space<vmem>>
        %dma_start3A_89 = arith.constant 0 : i32
        %dma_start3A_90 = arith.constant 0 : i32
        %dma_start3A_91 = tpu.memref_slice %arg2[%dma_start3A_89, %dma_start3A_90] : memref<10016x128xf32, #tpu.memory_space<hbm>> -> memref<10016x128xf32, #tpu.memory_space<hbm>>
        tpu.enqueue_indirect_dma source(%dma_start3A_91 : memref<10016x128xf32, #tpu.memory_space<hbm>>) target(%arg6 : memref<128x128xf32, #tpu.memory_space<vmem>>) offsets(%dma_start3A_88 : memref<128xi32, #tpu.memory_space<vmem>>) semaphore(%arg9 : memref<!tpu.dma_semaphore, #tpu.memory_space<semaphore_mem>>)
      } else {
      }
    }
    %while3A_50 = arith.constant 1 : i32
    scf.for %while3A_70 = %while3A_48 to %while3A_44 step %while3A_50  : i32 {
      %mul3A_71 = arith.muli %while3A_70, %while3A_40 : i32
      %add3A_72 = arith.addi %while3A_41, %mul3A_71 : i32
      %dma_wait3A = arith.constant 0 : i32
      %dma_wait3A_73 = arith.constant 0 : i32
      %dma_wait3A_74 = tpu.memref_slice %arg7[%dma_wait3A, %add3A_72, %dma_wait3A_73] : memref<2x96x128xi32, #tpu.memory_space<vmem>> -> memref<1x1x128xi32, #tpu.memory_space<vmem>>
      %dma_wait3A_75 = tpu.memref_squeeze %dma_wait3A_74 : memref<1x1x128xi32, #tpu.memory_space<vmem>> -> memref<128xi32, #tpu.memory_space<vmem>>
      %dma_wait3A_76 = arith.constant 0 : i32
      %dma_wait3A_77 = arith.constant 0 : i32
      %dma_wait3A_78 = tpu.memref_slice %arg2[%dma_wait3A_76, %dma_wait3A_77] : memref<10016x128xf32, #tpu.memory_space<hbm>> -> memref<10016x128xf32, #tpu.memory_space<hbm>>
      tpu.wait_indirect_dma semaphore(%arg9 : memref<!tpu.dma_semaphore, #tpu.memory_space<semaphore_mem>>) src(%dma_wait3A_78 : memref<10016x128xf32, #tpu.memory_space<hbm>>) dst(%arg6 : memref<128x128xf32, #tpu.memory_space<vmem>>)
      %run_scoped3A_79 = arith.constant 1 : i32
      "tpu.region"() ({
        %run_scoped3A_83 = tpu.sem_alloc : memref<!tpu.dma_semaphore, #tpu.memory_space<semaphore_mem>>
        %dma_start3A_84 = arith.constant 0 : i32
        %dma_start3A_85 = tpu.memref_slice %arg7[%run_scoped3A_79, %add3A_72, %dma_start3A_84] : memref<2x96x128xi32, #tpu.memory_space<vmem>> -> memref<1x1x128xi32, #tpu.memory_space<vmem>>
        %dma_start3A_86 = tpu.memref_squeeze %dma_start3A_85 : memref<1x1x128xi32, #tpu.memory_space<vmem>> -> memref<128xi32, #tpu.memory_space<vmem>>
        %dma_start3A_87 = arith.constant 0 : i32
        %dma_start3A_88 = arith.constant 0 : i32
        %dma_start3A_89 = tpu.memref_slice %arg8[%dma_start3A_87, %dma_start3A_88] : memref<10000x128xf32, #tpu.memory_space<vmem_shared>> -> memref<10000x128xf32, #tpu.memory_space<vmem_shared>>
        tpu.enqueue_indirect_dma source(%arg6 : memref<128x128xf32, #tpu.memory_space<vmem>>) target(%dma_start3A_89 : memref<10000x128xf32, #tpu.memory_space<vmem_shared>>) offsets(%dma_start3A_86 : memref<128xi32, #tpu.memory_space<vmem>>) semaphore(%run_scoped3A_83 : memref<!tpu.dma_semaphore, #tpu.memory_space<semaphore_mem>>) {add = true}
        %dma_wait3A_90 = arith.constant 0 : i32
        %dma_wait3A_91 = tpu.memref_slice %arg7[%run_scoped3A_79, %add3A_72, %dma_wait3A_90] : memref<2x96x128xi32, #tpu.memory_space<vmem>> -> memref<1x1x128xi32, #tpu.memory_space<vmem>>
        %dma_wait3A_92 = tpu.memref_squeeze %dma_wait3A_91 : memref<1x1x128xi32, #tpu.memory_space<vmem>> -> memref<128xi32, #tpu.memory_space<vmem>>
        %dma_wait3A_93 = arith.constant 0 : i32
        %dma_wait3A_94 = arith.constant 0 : i32
        %dma_wait3A_95 = tpu.memref_slice %arg8[%dma_wait3A_93, %dma_wait3A_94] : memref<10000x128xf32, #tpu.memory_space<vmem_shared>> -> memref<10000x128xf32, #tpu.memory_space<vmem_shared>>
        tpu.wait_indirect_dma semaphore(%run_scoped3A_83 : memref<!tpu.dma_semaphore, #tpu.memory_space<semaphore_mem>>) src(%arg6 : memref<128x128xf32, #tpu.memory_space<vmem>>) dst(%dma_wait3A_95 : memref<10000x128xf32, #tpu.memory_space<vmem_shared>>)
        tpu.yield
      }) : () -> ()
      %add3A_80 = arith.constant 1 : i32
      %add3A_81 = arith.addi %add3A_72, %add3A_80 : i32
      %lt3A = arith.cmpi slt, %add3A_81, %select_n3A : i32
      %convert_element_type3A = arith.extui %lt3A : i1 to i32
      %cond3A = arith.constant 0 : i32
      %cond3A_82 = arith.cmpi ne, %convert_element_type3A, %cond3A : i32
      scf.if %cond3A_82 {
        %add3A_83 = arith.constant 1 : i32
        %add3A_84 = arith.addi %add3A_72, %add3A_83 : i32
        %dma_start3A_85 = arith.constant 0 : i32
        %dma_start3A_86 = arith.constant 0 : i32
        %dma_start3A_87 = tpu.memref_slice %arg7[%dma_start3A_85, %add3A_84, %dma_start3A_86] : memref<2x96x128xi32, #tpu.memory_space<vmem>> -> memref<1x1x128xi32, #tpu.memory_space<vmem>>
        %dma_start3A_88 = tpu.memref_squeeze %dma_start3A_87 : memref<1x1x128xi32, #tpu.memory_space<vmem>> -> memref<128xi32, #tpu.memory_space<vmem>>
        %dma_start3A_89 = arith.constant 0 : i32
        %dma_start3A_90 = arith.constant 0 : i32
        %dma_start3A_91 = tpu.memref_slice %arg2[%dma_start3A_89, %dma_start3A_90] : memref<10016x128xf32, #tpu.memory_space<hbm>> -> memref<10016x128xf32, #tpu.memory_space<hbm>>
        tpu.enqueue_indirect_dma source(%dma_start3A_91 : memref<10016x128xf32, #tpu.memory_space<hbm>>) target(%arg6 : memref<128x128xf32, #tpu.memory_space<vmem>>) offsets(%dma_start3A_88 : memref<128xi32, #tpu.memory_space<vmem>>) semaphore(%arg9 : memref<!tpu.dma_semaphore, #tpu.memory_space<semaphore_mem>>)
      } else {
      }
    }
    %barrier3A_51 = arith.constant 0 : index
    tpu.barrier barrier_id(%barrier3A_51)
    %sub3A_52 = arith.constant 25 : i32
    %sub3A_53 = arith.subi %sub3A_52, %arg1 : i32
    %sub3A_54 = arith.constant 16 : i32
    %sub3A_55 = arith.constant 1 : i32
    %sub3A_56 = arith.subi %sub3A_54, %sub3A_55 : i32
    %add3A_57 = arith.addi %sub3A_53, %sub3A_56 : i32
    %div3A_58 = arith.constant 16 : i32
    %div3A_59 = arith.divsi %add3A_57, %div3A_58 : i32
    %while3A_60 = arith.constant 16 : i32
    %while3A_61 = arith.constant 0 : i32
    %while3A_62 = arith.subi %div3A_59, %while3A_61 : i32
    %while3A_63 = arith.addi %while3A_61, %while3A_62 : i32
    %while3A_64 = arith.constant 1 : i32
    %while3A_65 = arith.divsi %while3A_62, %while3A_64 : i32
    %while3A_66 = arith.muli %while3A_65, %while3A_64 : i32
    %while3A_67 = arith.addi %while3A_61, %while3A_66 : i32
    %while3A_68 = arith.constant 1 : i32
    scf.for %while3A_70 = %while3A_61 to %while3A_67 step %while3A_68  : i32 {
      %mul3A_71 = arith.muli %while3A_70, %while3A_60 : i32
      %add3A_72 = arith.addi %arg1, %mul3A_71 : i32
      %mul3A_73 = arith.constant 400 : i32
      %mul3A_74 = arith.muli %add3A_72, %mul3A_73 : i32
      %mul3A_75 = arith.constant 400 : i32
      %mul3A_76 = arith.muli %add3A_72, %mul3A_75 : i32
      "tpu.region"() ({
        %run_scoped3A_77 = tpu.sem_alloc : memref<!tpu.dma_semaphore, #tpu.memory_space<semaphore_mem>>
        %dma_start3A_78 = arith.constant 0 : i32
        %dma_start3A_79 = tpu.memref_slice %arg5[%arg0, %mul3A_76, %dma_start3A_78] : memref<2x10000x128xf32, #tpu.memory_space<hbm>> -> memref<1x400x128xf32, #tpu.memory_space<hbm>>
        %dma_start3A_80 = tpu.memref_squeeze %dma_start3A_79 : memref<1x400x128xf32, #tpu.memory_space<hbm>> -> memref<400x128xf32, #tpu.memory_space<hbm>>
        %dma_start3A_81 = arith.constant 0 : i32
        %dma_start3A_82 = tpu.memref_slice %arg8[%mul3A_74, %dma_start3A_81] : memref<10000x128xf32, #tpu.memory_space<vmem_shared>> -> memref<400x128xf32, #tpu.memory_space<vmem_shared>>
        tpu.enqueue_dma source(%dma_start3A_82 : memref<400x128xf32, #tpu.memory_space<vmem_shared>>) target(%dma_start3A_80 : memref<400x128xf32, #tpu.memory_space<hbm>>) target_semaphore(%run_scoped3A_77 : memref<!tpu.dma_semaphore, #tpu.memory_space<semaphore_mem>>)
        %dma_wait3A = arith.constant 0 : i32
        %dma_wait3A_83 = tpu.memref_slice %arg5[%arg0, %mul3A_76, %dma_wait3A] : memref<2x10000x128xf32, #tpu.memory_space<hbm>> -> memref<1x400x128xf32, #tpu.memory_space<hbm>>
        %dma_wait3A_84 = tpu.memref_squeeze %dma_wait3A_83 : memref<1x400x128xf32, #tpu.memory_space<hbm>> -> memref<400x128xf32, #tpu.memory_space<hbm>>
        %dma_wait3A_85 = arith.constant 0 : i32
        %dma_wait3A_86 = tpu.memref_slice %arg8[%mul3A_74, %dma_wait3A_85] : memref<10000x128xf32, #tpu.memory_space<vmem_shared>> -> memref<400x128xf32, #tpu.memory_space<vmem_shared>>
        tpu.wait_dma2 semaphore(%run_scoped3A_77 : memref<!tpu.dma_semaphore, #tpu.memory_space<semaphore_mem>>) src(%dma_wait3A_86 : memref<400x128xf32, #tpu.memory_space<vmem_shared>>) dst(%dma_wait3A_84 : memref<400x128xf32, #tpu.memory_space<hbm>>)
        tpu.yield
      }) : () -> ()
    }
    %while3A_69 = arith.constant 1 : i32
    scf.for %while3A_70 = %while3A_67 to %while3A_63 step %while3A_69  : i32 {
      %mul3A_71 = arith.muli %while3A_70, %while3A_60 : i32
      %add3A_72 = arith.addi %arg1, %mul3A_71 : i32
      %mul3A_73 = arith.constant 400 : i32
      %mul3A_74 = arith.muli %add3A_72, %mul3A_73 : i32
      %mul3A_75 = arith.constant 400 : i32
      %mul3A_76 = arith.muli %add3A_72, %mul3A_75 : i32
      "tpu.region"() ({
        %run_scoped3A_77 = tpu.sem_alloc : memref<!tpu.dma_semaphore, #tpu.memory_space<semaphore_mem>>
        %dma_start3A_78 = arith.constant 0 : i32
        %dma_start3A_79 = tpu.memref_slice %arg5[%arg0, %mul3A_76, %dma_start3A_78] : memref<2x10000x128xf32, #tpu.memory_space<hbm>> -> memref<1x400x128xf32, #tpu.memory_space<hbm>>
        %dma_start3A_80 = tpu.memref_squeeze %dma_start3A_79 : memref<1x400x128xf32, #tpu.memory_space<hbm>> -> memref<400x128xf32, #tpu.memory_space<hbm>>
        %dma_start3A_81 = arith.constant 0 : i32
        %dma_start3A_82 = tpu.memref_slice %arg8[%mul3A_74, %dma_start3A_81] : memref<10000x128xf32, #tpu.memory_space<vmem_shared>> -> memref<400x128xf32, #tpu.memory_space<vmem_shared>>
        tpu.enqueue_dma source(%dma_start3A_82 : memref<400x128xf32, #tpu.memory_space<vmem_shared>>) target(%dma_start3A_80 : memref<400x128xf32, #tpu.memory_space<hbm>>) target_semaphore(%run_scoped3A_77 : memref<!tpu.dma_semaphore, #tpu.memory_space<semaphore_mem>>)
        %dma_wait3A = arith.constant 0 : i32
        %dma_wait3A_83 = tpu.memref_slice %arg5[%arg0, %mul3A_76, %dma_wait3A] : memref<2x10000x128xf32, #tpu.memory_space<hbm>> -> memref<1x400x128xf32, #tpu.memory_space<hbm>>
        %dma_wait3A_84 = tpu.memref_squeeze %dma_wait3A_83 : memref<1x400x128xf32, #tpu.memory_space<hbm>> -> memref<400x128xf32, #tpu.memory_space<hbm>>
        %dma_wait3A_85 = arith.constant 0 : i32
        %dma_wait3A_86 = tpu.memref_slice %arg8[%mul3A_74, %dma_wait3A_85] : memref<10000x128xf32, #tpu.memory_space<vmem_shared>> -> memref<400x128xf32, #tpu.memory_space<vmem_shared>>
        tpu.wait_dma2 semaphore(%run_scoped3A_77 : memref<!tpu.dma_semaphore, #tpu.memory_space<semaphore_mem>>) src(%dma_wait3A_86 : memref<400x128xf32, #tpu.memory_space<vmem_shared>>) dst(%dma_wait3A_84 : memref<400x128xf32, #tpu.memory_space<hbm>>)
        tpu.yield
      }) : () -> ()
    }
    return
  }
}

module attributes {stable_mosaic.version = 14 : i64} {
  func.func @body(%arg0: memref<10000x128xf32, #tpu.memory_space<vmem>>, %arg1: memref<128x128xf32, #tpu.memory_space<vmem>>, %arg2: memref<10000x128xf32, #tpu.memory_space<vmem>>) attributes {dimension_semantics = [], scalar_prefetch = 0 : i64, scratch_operands = 0 : i64, tpu.core_type = #tpu.core_type<tc>} {
    %get3A = arith.constant 0 : index
    %get3A_0 = arith.constant 0 : index
    %get3A_1 = vector.load %arg0[%get3A, %get3A_0] : memref<10000x128xf32, #tpu.memory_space<vmem>>, vector<10000x128xf32>
    %get3A_2 = arith.constant 0 : index
    %get3A_3 = arith.constant 0 : index
    %get3A_4 = vector.load %arg1[%get3A_2, %get3A_3] : memref<128x128xf32, #tpu.memory_space<vmem>>, vector<128x128xf32>
    %dot_general3A = arith.constant dense<0.000000e+00> : vector<10000x128xf32>
    %dot_general3A_5 = tpu.matmul %get3A_1, %get3A_4, %dot_general3A {dimension_numbers = #tpu.dot_dimension_numbers<[1], [0], [0], [1], [0, 0, 1, 1], [], []>, precision = #tpu.contract_precision<fp32>, transpose_lhs_hint = false} : vector<10000x128xf32>, vector<128x128xf32>, vector<10000x128xf32> -> vector<10000x128xf32>
    %swap3A = arith.constant 0 : index
    %swap3A_6 = arith.constant 0 : index
    %swap3A_7 = vector.load %arg2[%swap3A, %swap3A_6] : memref<10000x128xf32, #tpu.memory_space<vmem>>, vector<10000x128xf32>
    tpu.vector_store %arg2[%swap3A, %swap3A_6], %dot_general3A_5 {strides = array<i32>} : memref<10000x128xf32, #tpu.memory_space<vmem>>, vector<10000x128xf32>,
    return
  }
}

module attributes {stable_mosaic.version = 14 : i64} {
  func.func @body(%arg0: memref<2x10000x128xf32, #tpu.memory_space<vmem>>, %arg1: memref<1x128xf32, #tpu.memory_space<vmem>>, %arg2: memref<1x128xf32, #tpu.memory_space<vmem>>, %arg3: memref<1x128xf32, #tpu.memory_space<vmem>>, %arg4: memref<1x128xf32, #tpu.memory_space<vmem>>, %arg5: memref<128x128xf32, #tpu.memory_space<vmem>>, %arg6: memref<10000x128xf32, #tpu.memory_space<vmem>>) attributes {dimension_semantics = [], scalar_prefetch = 0 : i64, scratch_operands = 0 : i64, tpu.core_type = #tpu.core_type<tc>} {
    %get3A = arith.constant 0 : index
    %get3A_0 = arith.constant 0 : index
    %get3A_1 = arith.constant 0 : index
    %get3A_2 = vector.load %arg0[%get3A, %get3A_0, %get3A_1] : memref<2x10000x128xf32, #tpu.memory_space<vmem>>, vector<1x10000x128xf32>
    %get3A_3 = vector.shape_cast %get3A_2 : vector<1x10000x128xf32> to vector<10000x128xf32>
    %get3A_4 = arith.constant 1 : index
    %get3A_5 = arith.constant 0 : index
    %get3A_6 = arith.constant 0 : index
    %get3A_7 = vector.load %arg0[%get3A_4, %get3A_5, %get3A_6] : memref<2x10000x128xf32, #tpu.memory_space<vmem>>, vector<1x10000x128xf32>
    %get3A_8 = vector.shape_cast %get3A_7 : vector<1x10000x128xf32> to vector<10000x128xf32>
    %add3A = arith.addf %get3A_3, %get3A_8 : vector<10000x128xf32>
    %get3A_9 = arith.constant 0 : index
    %get3A_10 = arith.constant 0 : index
    %get3A_11 = vector.load %arg1[%get3A_9, %get3A_10] : memref<1x128xf32, #tpu.memory_space<vmem>>, vector<1x128xf32>
    %get3A_12 = arith.constant 0 : index
    %get3A_13 = arith.constant 0 : index
    %get3A_14 = vector.load %arg4[%get3A_12, %get3A_13] : memref<1x128xf32, #tpu.memory_space<vmem>>, vector<1x128xf32>
    %add3A_15 = arith.constant 9.99999974E-6 : f32
    %add3A_16 = vector.broadcast %add3A_15 : f32 to vector<1x128xf32>
    %add3A_17 = arith.addf %get3A_14, %add3A_16 : vector<1x128xf32>
    %rsqrt3A = math.rsqrt %add3A_17 : vector<1x128xf32>
    %mul3A = arith.mulf %get3A_11, %rsqrt3A : vector<1x128xf32>
    %get3A_18 = arith.constant 0 : index
    %get3A_19 = arith.constant 0 : index
    %get3A_20 = vector.load %arg2[%get3A_18, %get3A_19] : memref<1x128xf32, #tpu.memory_space<vmem>>, vector<1x128xf32>
    %get3A_21 = arith.constant 0 : index
    %get3A_22 = arith.constant 0 : index
    %get3A_23 = vector.load %arg3[%get3A_21, %get3A_22] : memref<1x128xf32, #tpu.memory_space<vmem>>, vector<1x128xf32>
    %mul3A_24 = arith.mulf %get3A_23, %mul3A : vector<1x128xf32>
    %sub3A = arith.subf %get3A_20, %mul3A_24 : vector<1x128xf32>
    %mul3A_25 = vector.broadcast %mul3A : vector<1x128xf32> to vector<10000x128xf32>
    %mul3A_26 = arith.mulf %add3A, %mul3A_25 : vector<10000x128xf32>
    %add3A_27 = vector.broadcast %sub3A : vector<1x128xf32> to vector<10000x128xf32>
    %add3A_28 = arith.addf %mul3A_26, %add3A_27 : vector<10000x128xf32>
    %max3A = arith.constant 0.000000e+00 : f32
    %max3A_29 = vector.broadcast %max3A : f32 to vector<10000x128xf32>
    %max3A_30 = arith.maximumf %add3A_28, %max3A_29 : vector<10000x128xf32>
    %get3A_31 = arith.constant 0 : index
    %get3A_32 = arith.constant 0 : index
    %get3A_33 = vector.load %arg5[%get3A_31, %get3A_32] : memref<128x128xf32, #tpu.memory_space<vmem>>, vector<128x128xf32>
    %dot_general3A = arith.constant dense<0.000000e+00> : vector<10000x128xf32>
    %dot_general3A_34 = tpu.matmul %max3A_30, %get3A_33, %dot_general3A {dimension_numbers = #tpu.dot_dimension_numbers<[1], [0], [0], [1], [0, 0, 1, 1], [], []>, precision = #tpu.contract_precision<fp32>, transpose_lhs_hint = false} : vector<10000x128xf32>, vector<128x128xf32>, vector<10000x128xf32> -> vector<10000x128xf32>
    %swap3A = arith.constant 0 : index
    %swap3A_35 = arith.constant 0 : index
    %swap3A_36 = vector.load %arg6[%swap3A, %swap3A_35] : memref<10000x128xf32, #tpu.memory_space<vmem>>, vector<10000x128xf32>
    tpu.vector_store %arg6[%swap3A, %swap3A_35], %dot_general3A_34 {strides = array<i32>} : memref<10000x128xf32, #tpu.memory_space<vmem>>, vector<10000x128xf32>,
    return
  }
}

module attributes {stable_mosaic.version = 14 : i64} {
  func.func @body(%arg0: memref<2x10000x128xf32, #tpu.memory_space<vmem>>, %arg1: memref<10000x128xf32, #tpu.memory_space<vmem>>) attributes {dimension_semantics = [], scalar_prefetch = 0 : i64, scratch_operands = 0 : i64, tpu.core_type = #tpu.core_type<tc>} {
    %get3A = arith.constant 0 : index
    %get3A_0 = arith.constant 0 : index
    %get3A_1 = arith.constant 0 : index
    %get3A_2 = vector.load %arg0[%get3A, %get3A_0, %get3A_1] : memref<2x10000x128xf32, #tpu.memory_space<vmem>>, vector<1x10000x128xf32>
    %get3A_3 = vector.shape_cast %get3A_2 : vector<1x10000x128xf32> to vector<10000x128xf32>
    %get3A_4 = arith.constant 1 : index
    %get3A_5 = arith.constant 0 : index
    %get3A_6 = arith.constant 0 : index
    %get3A_7 = vector.load %arg0[%get3A_4, %get3A_5, %get3A_6] : memref<2x10000x128xf32, #tpu.memory_space<vmem>>, vector<1x10000x128xf32>
    %get3A_8 = vector.shape_cast %get3A_7 : vector<1x10000x128xf32> to vector<10000x128xf32>
    %add3A = arith.addf %get3A_3, %get3A_8 : vector<10000x128xf32>
    %reduce_max3A = arith.constant dense<0xFF800000> : vector<10000xf32>
    %reduce_max3A_9 = vector.multi_reduction <maximumf>, %add3A, %reduce_max3A [1] : vector<10000x128xf32> to vector<10000xf32>
    %broadcast_in_dim3A = vector.shape_cast %reduce_max3A_9 : vector<10000xf32> to vector<10000x1xf32>
    %sub3A = vector.broadcast %broadcast_in_dim3A : vector<10000x1xf32> to vector<10000x128xf32>
    %sub3A_10 = arith.subf %add3A, %sub3A : vector<10000x128xf32>
    %exp3A = math.exp %sub3A_10 : vector<10000x128xf32>
    %reduce_sum3A = arith.constant dense<0.000000e+00> : vector<10000xf32>
    %reduce_sum3A_11 = vector.multi_reduction <add>, %exp3A, %reduce_sum3A [1] : vector<10000x128xf32> to vector<10000xf32>
    %broadcast_in_dim3A_12 = vector.shape_cast %reduce_sum3A_11 : vector<10000xf32> to vector<10000x1xf32>
    %log3A = math.log %broadcast_in_dim3A_12 : vector<10000x1xf32>
    %add3A_13 = arith.addf %log3A, %broadcast_in_dim3A : vector<10000x1xf32>
    %sub3A_14 = vector.broadcast %add3A_13 : vector<10000x1xf32> to vector<10000x128xf32>
    %sub3A_15 = arith.subf %add3A, %sub3A_14 : vector<10000x128xf32>
    %swap3A = arith.constant 0 : index
    %swap3A_16 = arith.constant 0 : index
    %swap3A_17 = vector.load %arg1[%swap3A, %swap3A_16] : memref<10000x128xf32, #tpu.memory_space<vmem>>, vector<10000x128xf32>
    tpu.vector_store %arg1[%swap3A, %swap3A_16], %sub3A_15 {strides = array<i32>} : memref<10000x128xf32, #tpu.memory_space<vmem>>, vector<10000x128xf32>,
    return
  }
}

</mosaic_0001>

<sc_bundles>
// kernel: kernel.10.cloned.1.call-start
scs
__scs_entry_jumppad:
0x0: {  	(pc) =	sbr.rel $0x88, $3  }
0x1: {  	(tag) =	ssettag $0x0;
	lr =	simm.s32 $0x1  }
0x2: {  	[smem:$0x3F98] =	sst lr;
	_ =	strace $0xD0000000  }
0x3: {  	_ = 	snop  }
0x4: {  	_ = 	snop  }
0x5: {  	_ = 	snop  }
0x6: {  	_ = 	snop  }
0x7: {  	_ = 	snop  }
__scs_overlays_trampoline_lowered:
0x8: {  	[smem:$0x3FA7] =	sst s0  }
0x9: {  	[smem:$0x3FA8] =	sst s1  }
0xa: {  	[smem:$0x3FA9] =	sst s2  }
0xb: {  	[smem:$0x3FAA] =	sst s3  }
0xc: {  	[smem:$0x3FAB] =	sst s4  }
0xd: {  	[smem:$0x3FAC] =	sst s5  }
0xe: {  	[smem:$0x3FAD] =	sst s6  }
0xf: {  	[smem:$0x3FAE] =	sst s7  }
0x10: {  	[smem:$0x3FAF] =	sst s8  }
0x11: {  	[smem:$0x3FB0] =	sst s9;
	s0 =	simm.s32 @!p0 $0x0  }
0x12: {  	s1 =	sld [smem:$0x3F96];
	s0 =	simm.s32 @p0 $0x1  }
0x13: {  	[smem:$0x3FB1] =	sst s0;
	s0 =	simm.s32 @!p1 $0x0  }
0x14: {  	s2 =	sld [smem:$0x3F95];
	s0 =	simm.s32 @p1 $0x1  }
0x15: {  	[smem:$0x3FB2] =	sst s0;
	s0 =	simm.s32 @!p2 $0x0  }
0x16: {  	s3 =	sld [smem:$0x3FDB];
	s0 =	simm.s32 @p2 $0x1  }
0x17: {  	s4 =	simm.s32 $0x1BF5;
	[smem:$0x3FB4] =	sst s0  }
0x18: {  	s0 =	sld [smem:$0x3F97];
	_ =	swait.ge [sflag:s4], $0x0  }
0x19: {  	s7 =	sld [smem:$0x3F98]  }
0x1a: {  	s8 =	sadd.s32 $0xFFFFE003, lr  }
0x1b: {  	s9 =	sadd.s32 $0xFFFFFEF7, lr;
	s5 =	simm.s32 $0xFFFFFFFF;
	p2 =	slt.u32 s8, $0xFFFFF086  }
0x1c: {  	p1 =	slt.u32 s9, $0xF7A;
	s5 =	simm.s32 @!p2 $0x0  }
0x1d: {  	s5 =	simm.s32 @p1 $0x1;
	p0 =	seq.s32 s7, s2  }
0x1e: {  	s7 =	smul.u32 @!p0 $0xF7A, s2;
	p2 =	seq.s32 @!p0 s5, $0x0  }
0x1f: {  	s9 =	smul.u32 $0xF7A, s1;
	s8 =	simm.s32 @!p0 $0x1BF5;
	p2 =	por !p2, p0  }
0x20: {  	[sflag:s8] =	ssyncset.s32 @!p0 $0xFFFFF086;
	s6 =	sadd.s32 @!p0 s3, s7;
	s7 =	simm.s32 @!p0 $0x108  }
0x21: {  	s3 =	sadd.s32 s3, s9;
	s6 =	sadd.s32 @!p0 $0x88, s6;
	s7 =	simm.s32 @p2 $0x1082  }
0x22: {  	[simem:s7], [sflag:s8] =	dma.local @!p0 [hbm:s6], $0xF7A  }
0x23: {  	s9 =	sor.u32 $0xD0000000, s2;
	s6 =	simm.s32 $0x108;
	_ =	swait.ge @!p0 [sflag:s8], $0x0  }
0x24: {  	s3 =	sadd.s32 $0x88, s3;
	s6 =	simm.s32 @!p1 $0x1082;
	[sflag:s4] =	ssyncset.s32 $0xFFFFF086  }
0x25: {  	[simem:s6], [sflag:s4] =	dma.local [hbm:s3], $0xF7A  }
0x26: {  	[smem:$0x3F98] =	sst s1;
	(tag) =	ssettag s2;
	_ =	strace s9  }
0x27: {  	s1 =	sld [smem:$0x3FA8]  }
0x28: {  	s2 =	sld [smem:$0x3FA9]  }
0x29: {  	s4 =	sld [smem:$0x3FAB]  }
0x2a: {  	p0 =	seq.s32 s5, $0x0;
	s5 =	sld [smem:$0x3FAC]  }
0x2b: {  	s6 =	sld [smem:$0x3FAD]  }
0x2c: {  	s7 =	sld [smem:$0x3FAE]  }
0x2d: {  	s3 =	simm.s32 $0x108;
	s8 =	sld [smem:$0x3FAF]  }
0x2e: {  	s3 =	simm.s32 @!p0 $0x1082;
	s9 =	sld [smem:$0x3FB0]  }
0x2f: {  	lr =	sadd.s32 s0, s3;
	s0 =	sld [smem:$0x3FA7]  }
0x30: {  	s3 =	sld [smem:$0x3FAA]  }
0x31: {  	[smem:$0x3FB3] =	sst s10  }
0x32: {  	s10 =	sld [smem:$0x3FB1];
	_ =	sdelay $0x3  }
0x33: {  	p0 =	seq.s32 s10, $0x1;
	s10 =	sld [smem:$0x3FB3];
	_ =	sdelay $0x3  }
0x34: {  	[smem:$0x3FB3] =	sst s10  }
0x35: {  	s10 =	sld [smem:$0x3FB2];
	_ =	sdelay $0x3  }
0x36: {  	p1 =	seq.s32 s10, $0x1;
	s10 =	sld [smem:$0x3FB3];
	_ =	sdelay $0x3  }
0x37: {  	[smem:$0x3FB3] =	sst s10  }
0x38: {  	s10 =	sld [smem:$0x3FB4]  }
0x39: {  	_ = 	snop;
	(pc) =	sbr.ind lr, $3  }
0x3a: {  	_ = 	snop  }
0x3b: {  	_ = 	snop  }
0x3c: {  	p2 =	seq.s32 s10, $0x1;
	s10 =	sld [smem:$0x3FB3]  }
0x3d: {  	_ =	shalt  }
0x3e: {  	_ =	shalt  }
0x3f: {  	_ =	shalt  }
0x40: {  	_ =	shalt  }
0x41: {  	_ =	shalt  }
0x42: {  	_ =	shalt  }
0x43: {  	_ =	shalt  }
0x44: {  	_ =	shalt  }
0x45: {  	_ =	shalt  }
0x46: {  	_ =	shalt  }
0x47: {  	_ =	shalt  }
0x48: {  	_ =	shalt  }
0x49: {  	_ =	shalt  }
0x4a: {  	_ =	shalt  }
0x4b: {  	_ =	shalt  }
0x4c: {  	_ =	shalt  }
0x4d: {  	_ =	shalt  }
0x4e: {  	_ =	shalt  }
0x4f: {  	_ =	shalt  }
0x50: {  	_ =	shalt  }
0x51: {  	_ =	shalt  }
0x52: {  	_ =	shalt  }
0x53: {  	_ =	shalt  }
0x54: {  	_ =	shalt  }
0x55: {  	_ =	shalt  }
0x56: {  	_ =	shalt  }
0x57: {  	_ =	shalt  }
0x58: {  	_ =	shalt  }
0x59: {  	_ =	shalt  }
0x5a: {  	_ =	shalt  }
0x5b: {  	_ =	shalt  }
0x5c: {  	_ =	shalt  }
0x5d: {  	_ =	shalt  }
0x5e: {  	_ =	shalt  }
0x5f: {  	_ =	shalt  }
0x60: {  	_ =	shalt  }
0x61: {  	_ =	shalt  }
0x62: {  	_ =	shalt  }
0x63: {  	_ =	shalt  }
0x64: {  	_ =	shalt  }
0x65: {  	_ =	shalt  }
0x66: {  	_ =	shalt  }
0x67: {  	_ =	shalt  }
0x68: {  	_ =	shalt  }
0x69: {  	_ =	shalt  }
0x6a: {  	_ =	shalt  }
0x6b: {  	_ =	shalt  }
0x6c: {  	_ =	shalt  }
0x6d: {  	_ =	shalt  }
0x6e: {  	_ =	shalt  }
0x6f: {  	_ =	shalt  }
0x70: {  	_ =	shalt  }
0x71: {  	_ =	shalt  }
0x72: {  	_ =	shalt  }
0x73: {  	_ =	shalt  }
0x74: {  	_ =	shalt  }
0x75: {  	_ =	shalt  }
0x76: {  	_ =	shalt  }
0x77: {  	_ =	shalt  }
0x78: {  	_ =	shalt  }
0x79: {  	_ =	shalt  }
0x7a: {  	_ =	shalt  }
0x7b: {  	_ =	shalt  }
0x7c: {  	_ =	shalt  }
0x7d: {  	_ =	shalt  }
0x7e: {  	_ =	shalt  }
0x7f: {  	_ =	shalt  }
0x80: {  	_ =	shalt  }
0x81: {  	_ =	shalt  }
0x82: {  	_ =	shalt  }
0x83: {  	_ =	shalt  }
0x84: {  	_ =	shalt  }
0x85: {  	_ =	shalt  }
0x86: {  	_ =	shalt  }
0x87: {  	_ =	shalt  }
.Lfunc_end0:
.L_simem_size_0:
called_computation.1_lowered:
.L_overlay_start_0:
0x88: {  	s2 =	sld [smem:$0x3FD9]  }
0x89: {  	s3 =	sld [smem:$0x3FFE];
	_ =	sdelay $0x1  }
0x8a: {  	s1 =	srdreg.scid  }
0x8b: {  	s0 =	sand.u32 $0x1, s1  }
0x8c: {  	s16 =	sshll.u32 s0, $0xA;
	s2 =	sadd.s32 s3, s2  }
0x8d: {  	s2 =	sadd.s32 s2, s16  }
0x8e: {  	[smem:$0x3FBF] =	sst s2  }
0x8f: {  	_ = 	snop  }
0x90: {  	(tm) =	ssettm $0x1  }
0x91: {  	s17 =	sld [smem:$0x3FFB];
	_ =	sdelay $0x3  }
0x92: {  	_ =	strace s17  }
0x93: {  	s2 =	sld [smem:$0x3FFC];
	_ =	sdelay $0x3  }
0x94: {  	_ =	strace s2  }
0x95: {  	s2 =	sld [smem:$0x3FFD];
	_ =	sdelay $0x3  }
0x96: {  	_ =	strace s2  }
0x97: {  	_ =	strace $0x8FFFFFFF  }
0x98: {  	s18 =	sld [smem:$0x3FDB];
	_ =	sdelay $0x1  }
0x99: {  	s19 =	simm.s32 $_scs_section_size  }
0x9a: {  	s4 =	simm.s32 $_size__tile_overlayer_lowered;
	s5 =	simm.s32 $_tile_overlayer_lowered  }
0x9b: {  	s22 =	simm.s32 $0x1BFF;
	s21 =	sshll.u32 s5, $0x1;
	s2 =	sadd.s32 s19, s18  }
0x9c: {  	s6 =	simm.s32 $0x0;
	s20 =	sshll.u32 s4, $0x1;
	s4 =	sadd.s32 s21, s2  }
0x9d: {  	[timem:s6], [sflag:s22] =	dma.local [hbm:s4], s20  }
0x9e: {  	_ =	swait.ge [sflag:s22], s20  }
0x9f: {  	s3 =	ssub.s32 $0x0, s20;
	[sflag:s22] =	ssyncset.done $0x0  }
0xa0: {  	[sflag:s22] =	ssyncadd.s32 s3;
	_ =	sdelay $0x1  }
0xa1: {  	s23 =	simm.s32 $0x1B8B  }
0xa2: {  	_ =	swait.ge [sflag:s23], $0x1  }
0xa3: {  	[sflag:s23] =	ssyncset.done $0x0  }
0xa4: {  	s25 =	simm.s32 $0x1B8E;
	s24 =	sld [smem:$0x3FFE];
	[sflag:s23] =	ssyncadd.s32 $0xFFFFFFFF  }
0xa5: {  	s26 =	simm.s32 $execute0_lowered;
	[smem:$0x3FD2] =	sst s25  }
0xa6: {  	s4 =	sshll.u32 s26, $0x1;
	_ =	strace $0x80000049;
	[dreg:$0x1] =	wrdreg $0xFFFFFFFF  }
0xa7: {  	s28 =	simm.s32 $_size_execute0_lowered;
	s2 =	sadd.s32 s2, s4;
	[dreg:$0x0] =	wrdreg $0x0  }
0xa8: {  	s4 =	sshll.u32 s28, $0x1;
	[dreg:$0x2] =	wrdreg s2  }
0xa9: {  	[dreg:$0x3] =	wrdreg s4  }
0xaa: {  	[dreg:$0x4] =	wrdreg $0xC0  }
0xab: {  	_ =	task [dreg:s6], $0x5FFFF  }
0xac: {  	[dreg:$0x1] =	wrdreg $0xFFFFFFFF  }
0xad: {  	[dreg:$0x0] =	wrdreg $0x60  }
0xae: {  	[dreg:$0x2] =	wrdreg s24  }
0xaf: {  	[dreg:$0x3] =	wrdreg $0xA0000  }
0xb0: {  	[dreg:$0x4] =	wrdreg $0x9  }
0xb1: {  	_ =	task.clear_ibuf [dreg:s6], $0x5FFFF;
	_ =	strace $0x90000049  }
0xb2: {  	s29 =	simm.s32 $0x9;
	_ =	strace $0x8000004B  }
0xb3: {  	_ =	swait.ge [sflag:s29], $0x1  }
0xb4: {  	[sflag:s29] =	ssyncadd.s32 $0xFFFFFFFF  }
0xb5: {  	_ =	strace $0x9000004B  }
0xb6: {  	_ =	sfence  }
0xb7: {  	s30 =	sld [smem:$0x0];
	_ =	sdelay $0x2  }
0xb8: {  	s31 =	sshll.u32 s1, $0xD;
	s1 =	sshrl.u32 s1, $0x2  }
0xb9: {  	s3 =	sand.u32 $0x4000, s31;
	s1 =	sadd.s32 s1, s30  }
0xba: {  	s0 =	sor.u32 s3, s0;
	s1 =	sshll.u32 s1, $0x11  }
0xbb: {  	s0 =	sor.u32 s1, s0  }
0xbc: {  	s0 =	sadd.s32 $0x8F2B, s0  }
0xbd: {  	[sflag:s0] =	ssyncadd.remote.s32 $0x1  }
0xbe: {  	_ =	sfence.sel $0xFFFF  }
0xbf: {  	[dreg:$0x0] =	wrdreg $0xFFFFFFFF;
	(pc) =	sbr.abs _section_cstart, $3  }
0xc0: {  	[dreg:$0x1] =	wrdreg $0xFFFFFFFF  }
0xc1: {  	_ =	task.clear_ibuf [dreg:s6], $0x2FFFF;
	_ =	strace $0x9FFFFFFF  }
0xc2: {  	(tm) =	ssettm $0x7FFFFFFF  }
0xc3: {  	_ =	shalt  }
tec
execute0_lowered:
.L_overlay_start_1:
0x0: {  	(tag) =	ssettag $0x1  }
0x1: {  	s6 =	rddreg [dreg:$0x0]  }
0x2: {  	s1 =	rddreg [dreg:$0x1]  }
0x3: {  	s0 =	rddreg [dreg:$0x2];
	s3 =	simm.s32 $0x0;
	s2 =	srdreg.scid  }
0x4: {  	s14 =	simm.s32 $0x2;
	s15 =	simm.s32 $0x7000;
	s17 =	simm.s32 $0x80  }
0x5: {  	s18 =	simm.s32 $0x1;
	s19 =	simm.s32 $0x0;
	[smem:$0x7FF] =	sst s3  }
0x6: {  	s9 =	sand.u32 $0x1, s2;
	s4 =	sadd.s32 $0x1A00, s6;
	s11 =	sadd.s32 $0x78800, s6  }
0x7: {  	s2 =	stileid.u32;
	s5 =	smul.u32 $0x138800, s9;
	_ =	strace $0x8000004A  }
0x8: {  	s7 =	smul.u32 $0xC800, s2;
	s8 =	sshll.u32 s9, $0x5;
	s10 =	sshll.u32 s2, $0x1  }
0x9: {  	s24 =	ssub.s32 $0x2, s9;
	s29 =	ssub.s32 $0x28, s2;
	s30 =	smul.u32 $0x32000, s2  }
0xa: {  	p0 =	seq.s32 s9, $0x0;
	s9 =	simm.s32 $0x60;
	s16 =	sshll.u32 s2, $0x6  }
0xb: {  	s22 =	sor.u32 s10, s8;
	s25 =	sshrl.u32 s24, $0x1;
	s8 =	sshrl.u32 s29, $0x4  }
0xc: {  	s9 =	simm.s32 @!p0 $0x3D;
	s16 =	sor.u32 $0x1C02, s16;
	s12 =	smul.u32 $0x3000, s22  }
0xd: {  	s5 =	sadd.s32 s7, s5;
	s10 =	ssub.s32 s24, s25;
	s26 =	smul.u32 $0x600, s22  }
0xe: {  	s31 =	sshrl.u32 s30, $0x2;
	s23 =	sshrl.u32 s5, $0x3;
	s5 =	sadd.s32 $0x28C00, s6  }
0xf: {  	s10 =	smax.u32 s10, $0x1;
	s13 =	sadd.s32 s23, s6;
	s28 =	sshrl.u32 s12, $0x3  }
0x10: {  	s6 =	sadd.s32 s11, s26;
	s7 =	sadd.s32 s11, s28;
	s11 =	sadd.s32 s31, s1  }
0x11: {  	s12 =	sadd.s32 $0x2A600, s13;
	s13 =	simm.s32 $0x4000;
	s7 =	sadd.s32 $0x600, s7  }
.LBB2_1:
0x12: {  	[tilespmem:s13], [sflag:$0x2] =	stream.linear.gather [hbm4b:s6+s3], $0x3000, $0x38;
	[tilespmem:$0x1D880] =	vst v63  }
0x13: {  	_ =	swait.ge [sflag:s14], $0x3000  }
0x14: {  	[sflag:s14] =	ssyncset.done $0x0  }
0x15: {  	[sflag:s14] =	ssyncadd.s32 $0xFFFFD000  }
0x16: {  	[tilespmem:s15], [sflag:$0x2] =	stream.linear.gather [hbm4b:s7+s3], $0x3000, $0x38;
	[tilespmem:$0x1D880] =	vst v63  }
0x17: {  	p0 =	sne.s32 s8, $0x1;
	_ =	swait.ge [sflag:s14], $0x3000  }
.Ltmp0:
0x18: {  	[sflag:s14] =	ssyncset.done $0x0;
	(pc) =	sbr.rel @!p0 .LBB2_3-.Ltmp0, $4  }
0x19: {  	s20 =	sshrl.u32 s11, $0x3;
	[sflag:s14] =	ssyncadd.s32 $0xFFFFD000  }
0x1a: {  	[spmem:s20], [sflag:s16] =	dma.local [hbm:s5], $0x1900  }
0x1b: {  	_ =	swait.ge [sflag:s14], $0x1900  }
0x1c: {  	s21 =	sadd.s32 $0xFFFFFFFF, s8;
	s22 =	sadd.s32 $0xC8000, s11;
	[sflag:s14] =	ssyncset.done $0x0  }
.LBB2_2:
0x1d: {  	s23 =	sshrl.u32 s22, $0x3;
	[sflag:s14] =	ssyncadd.s32 $0xFFFFE700;
	p1 =	sne.s32 s21, $0x1  }
0x1e: {  	[spmem:s23], [sflag:s16] =	dma.local [hbm:s5], $0x1900  }
.Ltmp1:
0x1f: {  	_ = 	snop;
	(pc) =	sbr.rel @p1 .LBB2_2-.Ltmp1, $4  }
0x20: {  	_ = 	snop  }
0x21: {  	s21 =	sadd.s32 $0xFFFFFFFF, s21  }
0x22: {  	_ =	swait.ge [sflag:s14], $0x1900  }
0x23: {  	s22 =	sadd.s32 $0xC8000, s22;
	[sflag:s14] =	ssyncset.done $0x0  }
.LBB2_3:
0x24: {  	[sflag:s14] =	ssyncadd.s32 $0xFFFFE700  }
0x25: {  	[bflag:$0x0] =	sbarrier.arrive $0xFFFF  }
0x26: {  	[tilespmem:s3], [sflag:$0x1] =	stream.indirect.gather [hbm4b:s4+s17], $0x80, s13, s17, $0xb8;
	[tilespmem:$0x1D880] =	vst v63  }
0x27: {  	_ =	swait.ge [sflag:s18], $0x4000  }
0x28: {  	p1 =	sne.s32 s9, $0x2;
	[sflag:s18] =	ssyncset.done $0x0  }
.Ltmp2:
0x29: {  	s21 =	simm.s32 $0x7000;
	[sflag:s18] =	ssyncadd.s32 $0xFFFFC000;
	(pc) =	sbr.rel @!p1 .LBB2_5-.Ltmp2, $4  }
0x2a: {  	[spmem:s1] =	stream.indirect.scatter.add.f32 [tilespmem:s3], [sflag:$0x2], $0x80, s21, s17, $0xb8;
	[tilespmem:$0x1D880] =	vst v63  }
0x2b: {  	_ =	swait.ge [sflag:s14], $0x4000  }
0x2c: {  	s22 =	simm.s32 $0x2;
	[sflag:s14] =	ssyncset.done $0x0  }
0x2d: {  	s23 =	simm.s32 $0x4080;
	s21 =	simm.s32 $0x7080;
	[sflag:s14] =	ssyncadd.s32 $0xFFFFC000  }
.LBB2_4:
0x2e: {  	[tilespmem:s3], [sflag:$0x1] =	stream.indirect.gather [hbm4b:s4+s17], $0x80, s23, s17, $0xb8;
	[tilespmem:$0x1D880] =	vst v63  }
0x2f: {  	s22 =	sadd.s32 $0x1, s22;
	_ =	swait.ge [sflag:s18], $0x4000  }
0x30: {  	p1 =	sne.s32 s9, s22;
	[sflag:s18] =	ssyncset.done $0x0  }
.Ltmp3:
0x31: {  	[sflag:s18] =	ssyncadd.s32 $0xFFFFC000;
	(pc) =	sbr.rel @p1 .LBB2_4-.Ltmp3, $4  }
0x32: {  	[spmem:s1] =	stream.indirect.scatter.add.f32 [tilespmem:s3], [sflag:$0x2], $0x80, s21, s17, $0xb8;
	[tilespmem:$0x1D880] =	vst v63  }
0x33: {  	_ =	swait.ge [sflag:s14], $0x4000  }
0x34: {  	[sflag:s14] =	ssyncset.done $0x0  }
0x35: {  	s23 =	sadd.s32 $0xFFFFD080, s21;
	s21 =	sadd.s32 $0x80, s21;
	[sflag:s14] =	ssyncadd.s32 $0xFFFFC000  }
.LBB2_5:
0x36: {  	[tilespmem:s3], [sflag:$0x1] =	stream.indirect.gather [hbm4b:s4+s17], $0x80, s23, s17, $0xb8;
	[tilespmem:$0x1D880] =	vst v63  }
0x37: {  	_ =	swait.ge [sflag:s18], $0x4000  }
0x38: {  	[sflag:s18] =	ssyncset.done $0x0  }
0x39: {  	[sflag:s18] =	ssyncadd.s32 $0xFFFFC000  }
0x3a: {  	[spmem:s1] =	stream.indirect.scatter.add.f32 [tilespmem:s3], [sflag:$0x2], $0x80, s21, s17, $0xb8;
	[tilespmem:$0x1D880] =	vst v63  }
0x3b: {  	_ =	swait.ge [sflag:s14], $0x4000  }
0x3c: {  	[sflag:s14] =	ssyncset.done $0x0  }
.Ltmp4:
0x3d: {  	[sflag:s14] =	ssyncadd.s32 $0xFFFFC000;
	(pc) =	sbr.rel @!p0 .LBB2_7-.Ltmp4, $4  }
0x3e: {  	[bflag:$0x0] =	sbarrier.arrive $0xFFFF  }
0x3f: {  	[hbm:s12], [sflag:s16] =	dma.local [spmem:s20], $0x1900  }
0x40: {  	s22 =	smov.u32 s12;
	_ =	swait.ge [sflag:s14], $0x1900  }
0x41: {  	s21 =	sadd.s32 $0xC8000, s11;
	s20 =	sadd.s32 $0xFFFFFFFF, s8;
	[sflag:s14] =	ssyncset.done $0x0  }
.LBB2_6:
0x42: {  	s23 =	sshrl.u32 s21, $0x3  }
0x43: {  	[sflag:s14] =	ssyncadd.s32 $0xFFFFE700;
	s22 =	sadd.s32 $0x19000, s22;
	p0 =	sne.s32 s20, $0x1  }
0x44: {  	[hbm:s22], [sflag:s16] =	dma.local [spmem:s23], $0x1900  }
.Ltmp5:
0x45: {  	_ = 	snop;
	(pc) =	sbr.rel @p0 .LBB2_6-.Ltmp5, $4  }
0x46: {  	_ = 	snop  }
0x47: {  	s20 =	sadd.s32 $0xFFFFFFFF, s20  }
0x48: {  	_ =	swait.ge [sflag:s14], $0x1900  }
0x49: {  	s21 =	sadd.s32 $0xC8000, s21;
	[sflag:s14] =	ssyncset.done $0x0  }
.LBB2_7:
0x4a: {  	s19 =	sadd.s32 $0x1, s19  }
0x4b: {  	p0 =	sne.s32 s19, s10  }
.Ltmp6:
0x4c: {  	_ = 	snop;
	(pc) =	sbr.rel @p0 .LBB2_1-.Ltmp6, $2  }
0x4d: {  	_ =	sdelay $0x2  }
0x4e: {  	[sflag:s14] =	ssyncadd.s32 $0xFFFFE700  }
0x4f: {  	_ =	sfence.sel $0x180000  }
0x50: {  	[bflag:$0x0] =	sbarrier.arrive $0xFFFF  }
0x51: {  	p0 =	sne.s32 s2, $0x0;
	_ =	strace $0x9000004A  }
0x52: {  	s0 =	sadd.s32 @!p0 $0x100000, s0;
	[bflag:$0x2] =	sbarrier.arrive $0xFFFF  }
0x53: {  	[sflag:s0] =	ssyncadd.tile.s32 @!p0 $0x1;
	_ =	shalt  }
.Lfunc_end2:
_tile_overlayer_lowered:
.L_overlay_start_2:
0x54: {  	(tag) =	ssettag $0x2  }
0x55: {  	s0 =	rddreg [dreg:$0x0];
	s2 =	stileid.u32  }
0x56: {  	s1 =	rddreg [dreg:$0x1];
	p0 =	sne.s32 s2, $0x0  }
0x57: {  	s3 =	rddreg [dreg:$0x2];
	[bflag:$0x3] =	sbarrier.arrive $0xFFFF;
	s2 =	simm.s32 @!p0 $0x1C02  }
0x58: {  	[timem:s3], [sflag:s2] =	dma.local @!p0 [hbm:s0], s1  }
0x59: {  	s0 =	simm.s32 @!p0 $0x2  }
0x5a: {  	_ =	swait.ge @!p0 [sflag:s0], s1  }
0x5b: {  	s1 =	ssub.s32 @!p0 $0x0, s1;
	[sflag:s0] =	ssyncset.done @!p0 $0x0  }
0x5c: {  	[sflag:s0] =	ssyncadd.s32 @!p0 s1  }
0x5d: {  	[bflag:$0x3] =	sbarrier.arrive $0xFFFF  }
0x5e: {  	_ =	shalt  }

// kernel: kernel.7.cloned.1.call-start
scs
__scs_entry_jumppad:
0x0: {  	(pc) =	sbr.rel $0x88, $3  }
0x1: {  	(tag) =	ssettag $0x0;
	lr =	simm.s32 $0x1  }
0x2: {  	[smem:$0x3F98] =	sst lr;
	_ =	strace $0xD0000000  }
0x3: {  	_ = 	snop  }
0x4: {  	_ = 	snop  }
0x5: {  	_ = 	snop  }
0x6: {  	_ = 	snop  }
0x7: {  	_ = 	snop  }
__scs_overlays_trampoline_lowered:
0x8: {  	[smem:$0x3FA7] =	sst s0  }
0x9: {  	[smem:$0x3FA8] =	sst s1  }
0xa: {  	[smem:$0x3FA9] =	sst s2  }
0xb: {  	[smem:$0x3FAA] =	sst s3  }
0xc: {  	[smem:$0x3FAB] =	sst s4  }
0xd: {  	[smem:$0x3FAC] =	sst s5  }
0xe: {  	[smem:$0x3FAD] =	sst s6  }
0xf: {  	[smem:$0x3FAE] =	sst s7  }
0x10: {  	[smem:$0x3FAF] =	sst s8  }
0x11: {  	[smem:$0x3FB0] =	sst s9;
	s0 =	simm.s32 @!p0 $0x0  }
0x12: {  	s1 =	sld [smem:$0x3F96];
	s0 =	simm.s32 @p0 $0x1  }
0x13: {  	[smem:$0x3FB1] =	sst s0;
	s0 =	simm.s32 @!p1 $0x0  }
0x14: {  	s2 =	sld [smem:$0x3F95];
	s0 =	simm.s32 @p1 $0x1  }
0x15: {  	[smem:$0x3FB2] =	sst s0;
	s0 =	simm.s32 @!p2 $0x0  }
0x16: {  	s3 =	sld [smem:$0x3FDB];
	s0 =	simm.s32 @p2 $0x1  }
0x17: {  	s4 =	simm.s32 $0x1BF5;
	[smem:$0x3FB4] =	sst s0  }
0x18: {  	s0 =	sld [smem:$0x3F97];
	_ =	swait.ge [sflag:s4], $0x0  }
0x19: {  	s7 =	sld [smem:$0x3F98]  }
0x1a: {  	s8 =	sadd.s32 $0xFFFFE003, lr  }
0x1b: {  	s9 =	sadd.s32 $0xFFFFFEF7, lr;
	s5 =	simm.s32 $0xFFFFFFFF;
	p2 =	slt.u32 s8, $0xFFFFF086  }
0x1c: {  	p1 =	slt.u32 s9, $0xF7A;
	s5 =	simm.s32 @!p2 $0x0  }
0x1d: {  	s5 =	simm.s32 @p1 $0x1;
	p0 =	seq.s32 s7, s2  }
0x1e: {  	s7 =	smul.u32 @!p0 $0xF7A, s2;
	p2 =	seq.s32 @!p0 s5, $0x0  }
0x1f: {  	s9 =	smul.u32 $0xF7A, s1;
	s8 =	simm.s32 @!p0 $0x1BF5;
	p2 =	por !p2, p0  }
0x20: {  	[sflag:s8] =	ssyncset.s32 @!p0 $0xFFFFF086;
	s6 =	sadd.s32 @!p0 s3, s7;
	s7 =	simm.s32 @!p0 $0x108  }
0x21: {  	s3 =	sadd.s32 s3, s9;
	s6 =	sadd.s32 @!p0 $0x88, s6;
	s7 =	simm.s32 @p2 $0x1082  }
0x22: {  	[simem:s7], [sflag:s8] =	dma.local @!p0 [hbm:s6], $0xF7A  }
0x23: {  	s9 =	sor.u32 $0xD0000000, s2;
	s6 =	simm.s32 $0x108;
	_ =	swait.ge @!p0 [sflag:s8], $0x0  }
0x24: {  	s3 =	sadd.s32 $0x88, s3;
	s6 =	simm.s32 @!p1 $0x1082;
	[sflag:s4] =	ssyncset.s32 $0xFFFFF086  }
0x25: {  	[simem:s6], [sflag:s4] =	dma.local [hbm:s3], $0xF7A  }
0x26: {  	[smem:$0x3F98] =	sst s1;
	(tag) =	ssettag s2;
	_ =	strace s9  }
0x27: {  	s1 =	sld [smem:$0x3FA8]  }
0x28: {  	s2 =	sld [smem:$0x3FA9]  }
0x29: {  	s4 =	sld [smem:$0x3FAB]  }
0x2a: {  	p0 =	seq.s32 s5, $0x0;
	s5 =	sld [smem:$0x3FAC]  }
0x2b: {  	s6 =	sld [smem:$0x3FAD]  }
0x2c: {  	s7 =	sld [smem:$0x3FAE]  }
0x2d: {  	s3 =	simm.s32 $0x108;
	s8 =	sld [smem:$0x3FAF]  }
0x2e: {  	s3 =	simm.s32 @!p0 $0x1082;
	s9 =	sld [smem:$0x3FB0]  }
0x2f: {  	lr =	sadd.s32 s0, s3;
	s0 =	sld [smem:$0x3FA7]  }
0x30: {  	s3 =	sld [smem:$0x3FAA]  }
0x31: {  	[smem:$0x3FB3] =	sst s10  }
0x32: {  	s10 =	sld [smem:$0x3FB1];
	_ =	sdelay $0x3  }
0x33: {  	p0 =	seq.s32 s10, $0x1;
	s10 =	sld [smem:$0x3FB3];
	_ =	sdelay $0x3  }
0x34: {  	[smem:$0x3FB3] =	sst s10  }
0x35: {  	s10 =	sld [smem:$0x3FB2];
	_ =	sdelay $0x3  }
0x36: {  	p1 =	seq.s32 s10, $0x1;
	s10 =	sld [smem:$0x3FB3];
	_ =	sdelay $0x3  }
0x37: {  	[smem:$0x3FB3] =	sst s10  }
0x38: {  	s10 =	sld [smem:$0x3FB4]  }
0x39: {  	_ = 	snop;
	(pc) =	sbr.ind lr, $3  }
0x3a: {  	_ = 	snop  }
0x3b: {  	_ = 	snop  }
0x3c: {  	p2 =	seq.s32 s10, $0x1;
	s10 =	sld [smem:$0x3FB3]  }
0x3d: {  	_ =	shalt  }
0x3e: {  	_ =	shalt  }
0x3f: {  	_ =	shalt  }
0x40: {  	_ =	shalt  }
0x41: {  	_ =	shalt  }
0x42: {  	_ =	shalt  }
0x43: {  	_ =	shalt  }
0x44: {  	_ =	shalt  }
0x45: {  	_ =	shalt  }
0x46: {  	_ =	shalt  }
0x47: {  	_ =	shalt  }
0x48: {  	_ =	shalt  }
0x49: {  	_ =	shalt  }
0x4a: {  	_ =	shalt  }
0x4b: {  	_ =	shalt  }
0x4c: {  	_ =	shalt  }
0x4d: {  	_ =	shalt  }
0x4e: {  	_ =	shalt  }
0x4f: {  	_ =	shalt  }
0x50: {  	_ =	shalt  }
0x51: {  	_ =	shalt  }
0x52: {  	_ =	shalt  }
0x53: {  	_ =	shalt  }
0x54: {  	_ =	shalt  }
0x55: {  	_ =	shalt  }
0x56: {  	_ =	shalt  }
0x57: {  	_ =	shalt  }
0x58: {  	_ =	shalt  }
0x59: {  	_ =	shalt  }
0x5a: {  	_ =	shalt  }
0x5b: {  	_ =	shalt  }
0x5c: {  	_ =	shalt  }
0x5d: {  	_ =	shalt  }
0x5e: {  	_ =	shalt  }
0x5f: {  	_ =	shalt  }
0x60: {  	_ =	shalt  }
0x61: {  	_ =	shalt  }
0x62: {  	_ =	shalt  }
0x63: {  	_ =	shalt  }
0x64: {  	_ =	shalt  }
0x65: {  	_ =	shalt  }
0x66: {  	_ =	shalt  }
0x67: {  	_ =	shalt  }
0x68: {  	_ =	shalt  }
0x69: {  	_ =	shalt  }
0x6a: {  	_ =	shalt  }
0x6b: {  	_ =	shalt  }
0x6c: {  	_ =	shalt  }
0x6d: {  	_ =	shalt  }
0x6e: {  	_ =	shalt  }
0x6f: {  	_ =	shalt  }
0x70: {  	_ =	shalt  }
0x71: {  	_ =	shalt  }
0x72: {  	_ =	shalt  }
0x73: {  	_ =	shalt  }
0x74: {  	_ =	shalt  }
0x75: {  	_ =	shalt  }
0x76: {  	_ =	shalt  }
0x77: {  	_ =	shalt  }
0x78: {  	_ =	shalt  }
0x79: {  	_ =	shalt  }
0x7a: {  	_ =	shalt  }
0x7b: {  	_ =	shalt  }
0x7c: {  	_ =	shalt  }
0x7d: {  	_ =	shalt  }
0x7e: {  	_ =	shalt  }
0x7f: {  	_ =	shalt  }
0x80: {  	_ =	shalt  }
0x81: {  	_ =	shalt  }
0x82: {  	_ =	shalt  }
0x83: {  	_ =	shalt  }
0x84: {  	_ =	shalt  }
0x85: {  	_ =	shalt  }
0x86: {  	_ =	shalt  }
0x87: {  	_ =	shalt  }
.Lfunc_end0:
.L_simem_size_0:
called_computation_lowered:
.L_overlay_start_0:
0x88: {  	s2 =	sld [smem:$0x3FD9]  }
0x89: {  	s3 =	sld [smem:$0x3FFE];
	_ =	sdelay $0x1  }
0x8a: {  	s1 =	srdreg.scid  }
0x8b: {  	s0 =	sand.u32 $0x1, s1  }
0x8c: {  	s17 =	sshll.u32 s0, $0xA;
	s2 =	sadd.s32 s3, s2  }
0x8d: {  	s2 =	sadd.s32 s2, s17  }
0x8e: {  	[smem:$0x3FBF] =	sst s2  }
0x8f: {  	_ = 	snop  }
0x90: {  	s2 =	sld [smem:$0x3FD0];
	(tm) =	ssettm $0x1  }
0x91: {  	s18 =	sld [smem:$0x3FFB];
	_ =	sdelay $0x3  }
0x92: {  	_ =	strace s18  }
0x93: {  	s3 =	sld [smem:$0x3FFC];
	_ =	sdelay $0x3  }
0x94: {  	_ =	strace s3  }
0x95: {  	s3 =	sld [smem:$0x3FFD];
	_ =	sdelay $0x3  }
0x96: {  	_ =	strace s3  }
0x97: {  	_ =	strace $0x8FFFFFFF  }
0x98: {  	s19 =	sld [smem:$0x3FDB];
	_ =	sdelay $0x1  }
0x99: {  	s4 =	simm.s32 $_scs_section_size  }
0x9a: {  	s5 =	simm.s32 $_size__tile_overlayer_lowered;
	s6 =	simm.s32 $_tile_overlayer_lowered  }
0x9b: {  	s22 =	simm.s32 $0x1BFF;
	s21 =	sshll.u32 s6, $0x1;
	s3 =	sadd.s32 s4, s19  }
0x9c: {  	s7 =	simm.s32 $0x0;
	s20 =	sshll.u32 s5, $0x1;
	s5 =	sadd.s32 s21, s3  }
0x9d: {  	[timem:s7], [sflag:s22] =	dma.local [hbm:s5], s20  }
0x9e: {  	_ =	swait.ge [sflag:s22], s20  }
0x9f: {  	s4 =	ssub.s32 $0x0, s20;
	[sflag:s22] =	ssyncset.done $0x0  }
0xa0: {  	[sflag:s22] =	ssyncadd.s32 s4;
	_ =	sdelay $0x1  }
0xa1: {  	s23 =	simm.s32 $0x1B8B  }
0xa2: {  	_ =	swait.ge [sflag:s23], $0x1  }
0xa3: {  	[sflag:s23] =	ssyncset.done $0x0  }
0xa4: {  	s25 =	simm.s32 $0x1B8E;
	s24 =	sld [smem:$0x3FFE];
	[sflag:s23] =	ssyncadd.s32 $0xFFFFFFFF  }
0xa5: {  	s26 =	simm.s32 $execute0_lowered;
	[smem:$0x3FD2] =	sst s25  }
0xa6: {  	s5 =	sshll.u32 s26, $0x1;
	_ =	strace $0x80000046;
	[dreg:$0x1] =	wrdreg $0xFFFFFFFF  }
0xa7: {  	s28 =	simm.s32 $_size_execute0_lowered;
	s3 =	sadd.s32 s3, s5;
	[dreg:$0x0] =	wrdreg $0x0  }
0xa8: {  	s5 =	sshll.u32 s28, $0x1;
	[dreg:$0x2] =	wrdreg s3  }
0xa9: {  	[dreg:$0x3] =	wrdreg s5  }
0xaa: {  	[dreg:$0x4] =	wrdreg $0xC0  }
0xab: {  	_ =	task [dreg:s7], $0x5FFFF  }
0xac: {  	[dreg:$0x1] =	wrdreg $0xFFFFFFFF  }
0xad: {  	[dreg:$0x0] =	wrdreg $0x60  }
0xae: {  	[dreg:$0x2] =	wrdreg s24  }
0xaf: {  	[dreg:$0x3] =	wrdreg s2  }
0xb0: {  	[dreg:$0x4] =	wrdreg $0xA0000  }
0xb1: {  	[dreg:$0x5] =	wrdreg $0x9  }
0xb2: {  	_ =	task.clear_ibuf [dreg:s7], $0x6FFFF;
	_ =	strace $0x90000046  }
0xb3: {  	s29 =	simm.s32 $0x9;
	_ =	strace $0x80000048  }
0xb4: {  	_ =	swait.ge [sflag:s29], $0x1  }
0xb5: {  	[sflag:s29] =	ssyncadd.s32 $0xFFFFFFFF  }
0xb6: {  	_ =	strace $0x90000048  }
0xb7: {  	_ =	sfence  }
0xb8: {  	s30 =	sld [smem:$0x0];
	_ =	sdelay $0x2  }
0xb9: {  	s31 =	sshll.u32 s1, $0xD;
	s1 =	sshrl.u32 s1, $0x2  }
0xba: {  	s3 =	sand.u32 $0x4000, s31;
	s1 =	sadd.s32 s1, s30  }
0xbb: {  	s0 =	sor.u32 s3, s0;
	s1 =	sshll.u32 s1, $0x11  }
0xbc: {  	s0 =	sor.u32 s1, s0  }
0xbd: {  	s0 =	sadd.s32 $0x8F2B, s0  }
0xbe: {  	[sflag:s0] =	ssyncadd.remote.s32 $0x1  }
0xbf: {  	_ =	sfence.sel $0xFFFF  }
0xc0: {  	[dreg:$0x0] =	wrdreg $0xFFFFFFFF;
	(pc) =	sbr.abs _section_cstart, $3  }
0xc1: {  	[dreg:$0x1] =	wrdreg $0xFFFFFFFF  }
0xc2: {  	_ =	task.clear_ibuf [dreg:s7], $0x2FFFF;
	_ =	strace $0x9FFFFFFF  }
0xc3: {  	(tm) =	ssettm $0x7FFFFFFF  }
tec
execute0_lowered:
.L_overlay_start_1:
0x0: {  	(tag) =	ssettag $0x1  }
0x1: {  	s6 =	rddreg [dreg:$0x0]  }
0x2: {  	s7 =	rddreg [dreg:$0x1]  }
0x3: {  	s1 =	rddreg [dreg:$0x2]  }
0x4: {  	s2 =	srdreg.scid;
	s0 =	rddreg [dreg:$0x3]  }
0x5: {  	s3 =	simm.s32 $0x0;
	s14 =	simm.s32 $0x2;
	s15 =	simm.s32 $0x7000  }
0x6: {  	s17 =	simm.s32 $0x80;
	s18 =	simm.s32 $0x1;
	s9 =	sand.u32 $0x1, s2  }
0x7: {  	s19 =	simm.s32 $0x0;
	s2 =	stileid.u32;
	s5 =	smul.u32 $0x138800, s9  }
0x8: {  	[smem:$0x7FF] =	sst s3;
	s4 =	sadd.s32 $0x1A00, s6;
	s8 =	smul.u32 $0xC800, s2  }
0x9: {  	_ =	strace $0x80000047;
	s10 =	sshll.u32 s9, $0x5;
	s11 =	sshll.u32 s2, $0x1  }
0xa: {  	s23 =	ssub.s32 $0x2, s9;
	s29 =	ssub.s32 $0x28, s2;
	s30 =	smul.u32 $0x32000, s2  }
0xb: {  	p0 =	seq.s32 s9, $0x0;
	s9 =	simm.s32 $0x60;
	s16 =	sshll.u32 s2, $0x6  }
0xc: {  	s21 =	sor.u32 s11, s10;
	s24 =	sshrl.u32 s23, $0x1;
	s9 =	simm.s32 @!p0 $0x3D  }
0xd: {  	s16 =	sor.u32 $0x1C02, s16;
	s5 =	sadd.s32 s8, s5;
	s12 =	smul.u32 $0x3000, s21  }
0xe: {  	s25 =	ssub.s32 s23, s24;
	s26 =	smul.u32 $0x600, s21;
	s31 =	sshrl.u32 s30, $0x2  }
0xf: {  	s22 =	sshrl.u32 s5, $0x3;
	s5 =	sadd.s32 $0x28C00, s6;
	s10 =	smax.u32 s25, $0x1  }
0x10: {  	s11 =	sadd.s32 s31, s1;
	s13 =	sadd.s32 s22, s6;
	s28 =	sshrl.u32 s12, $0x3  }
0x11: {  	s6 =	sadd.s32 s7, s26;
	s8 =	sadd.s32 s7, s28;
	s12 =	sadd.s32 $0x2A600, s13  }
0x12: {  	s13 =	simm.s32 $0x4000;
	s7 =	sadd.s32 $0x600, s8;
	s8 =	sshrl.u32 s29, $0x4  }
.LBB2_1:
0x13: {  	[tilespmem:s13], [sflag:$0x2] =	stream.linear.gather [hbm4b:s6+s3], $0x3000, $0x38;
	[tilespmem:$0x1D880] =	vst v63  }
0x14: {  	_ =	swait.ge [sflag:s14], $0x3000  }
0x15: {  	[sflag:s14] =	ssyncset.done $0x0  }
0x16: {  	[sflag:s14] =	ssyncadd.s32 $0xFFFFD000  }
0x17: {  	[tilespmem:s15], [sflag:$0x2] =	stream.linear.gather [hbm4b:s7+s3], $0x3000, $0x38;
	[tilespmem:$0x1D880] =	vst v63  }
0x18: {  	p0 =	sne.s32 s8, $0x1;
	_ =	swait.ge [sflag:s14], $0x3000  }
.Ltmp0:
0x19: {  	[sflag:s14] =	ssyncset.done $0x0;
	(pc) =	sbr.rel @!p0 .LBB2_3-.Ltmp0, $4  }
0x1a: {  	s20 =	sshrl.u32 s11, $0x3;
	[sflag:s14] =	ssyncadd.s32 $0xFFFFD000  }
0x1b: {  	[spmem:s20], [sflag:s16] =	dma.local [hbm:s5], $0x1900  }
0x1c: {  	_ =	swait.ge [sflag:s14], $0x1900  }
0x1d: {  	s21 =	sadd.s32 $0xFFFFFFFF, s8;
	s22 =	sadd.s32 $0xC8000, s11;
	[sflag:s14] =	ssyncset.done $0x0  }
.LBB2_2:
0x1e: {  	s23 =	sshrl.u32 s22, $0x3;
	[sflag:s14] =	ssyncadd.s32 $0xFFFFE700;
	p1 =	sne.s32 s21, $0x1  }
0x1f: {  	[spmem:s23], [sflag:s16] =	dma.local [hbm:s5], $0x1900  }
.Ltmp1:
0x20: {  	_ = 	snop;
	(pc) =	sbr.rel @p1 .LBB2_2-.Ltmp1, $4  }
0x21: {  	_ = 	snop  }
0x22: {  	s21 =	sadd.s32 $0xFFFFFFFF, s21  }
0x23: {  	_ =	swait.ge [sflag:s14], $0x1900  }
0x24: {  	s22 =	sadd.s32 $0xC8000, s22;
	[sflag:s14] =	ssyncset.done $0x0  }
.LBB2_3:
0x25: {  	[sflag:s14] =	ssyncadd.s32 $0xFFFFE700  }
0x26: {  	[bflag:$0x0] =	sbarrier.arrive $0xFFFF  }
0x27: {  	[tilespmem:s3], [sflag:$0x1] =	stream.indirect.gather [hbm4b:s4+s17], $0x80, s13, s17, $0xb8;
	[tilespmem:$0x1D880] =	vst v63  }
0x28: {  	_ =	swait.ge [sflag:s18], $0x4000  }
0x29: {  	p1 =	sne.s32 s9, $0x2;
	[sflag:s18] =	ssyncset.done $0x0  }
.Ltmp2:
0x2a: {  	s21 =	simm.s32 $0x7000;
	[sflag:s18] =	ssyncadd.s32 $0xFFFFC000;
	(pc) =	sbr.rel @!p1 .LBB2_5-.Ltmp2, $4  }
0x2b: {  	[spmem:s1] =	stream.indirect.scatter.add.f32 [tilespmem:s3], [sflag:$0x2], $0x80, s21, s17, $0xb8;
	[tilespmem:$0x1D880] =	vst v63  }
0x2c: {  	_ =	swait.ge [sflag:s14], $0x4000  }
0x2d: {  	s22 =	simm.s32 $0x2;
	[sflag:s14] =	ssyncset.done $0x0  }
0x2e: {  	s23 =	simm.s32 $0x4080;
	s21 =	simm.s32 $0x7080;
	[sflag:s14] =	ssyncadd.s32 $0xFFFFC000  }
.LBB2_4:
0x2f: {  	[tilespmem:s3], [sflag:$0x1] =	stream.indirect.gather [hbm4b:s4+s17], $0x80, s23, s17, $0xb8;
	[tilespmem:$0x1D880] =	vst v63  }
0x30: {  	s22 =	sadd.s32 $0x1, s22;
	_ =	swait.ge [sflag:s18], $0x4000  }
0x31: {  	p1 =	sne.s32 s9, s22;
	[sflag:s18] =	ssyncset.done $0x0  }
.Ltmp3:
0x32: {  	[sflag:s18] =	ssyncadd.s32 $0xFFFFC000;
	(pc) =	sbr.rel @p1 .LBB2_4-.Ltmp3, $4  }
0x33: {  	[spmem:s1] =	stream.indirect.scatter.add.f32 [tilespmem:s3], [sflag:$0x2], $0x80, s21, s17, $0xb8;
	[tilespmem:$0x1D880] =	vst v63  }
0x34: {  	_ =	swait.ge [sflag:s14], $0x4000  }
0x35: {  	[sflag:s14] =	ssyncset.done $0x0  }
0x36: {  	s23 =	sadd.s32 $0xFFFFD080, s21;
	s21 =	sadd.s32 $0x80, s21;
	[sflag:s14] =	ssyncadd.s32 $0xFFFFC000  }
.LBB2_5:
0x37: {  	[tilespmem:s3], [sflag:$0x1] =	stream.indirect.gather [hbm4b:s4+s17], $0x80, s23, s17, $0xb8;
	[tilespmem:$0x1D880] =	vst v63  }
0x38: {  	_ =	swait.ge [sflag:s18], $0x4000  }
0x39: {  	[sflag:s18] =	ssyncset.done $0x0  }
0x3a: {  	[sflag:s18] =	ssyncadd.s32 $0xFFFFC000  }
0x3b: {  	[spmem:s1] =	stream.indirect.scatter.add.f32 [tilespmem:s3], [sflag:$0x2], $0x80, s21, s17, $0xb8;
	[tilespmem:$0x1D880] =	vst v63  }
0x3c: {  	_ =	swait.ge [sflag:s14], $0x4000  }
0x3d: {  	[sflag:s14] =	ssyncset.done $0x0  }
.Ltmp4:
0x3e: {  	[sflag:s14] =	ssyncadd.s32 $0xFFFFC000;
	(pc) =	sbr.rel @!p0 .LBB2_7-.Ltmp4, $4  }
0x3f: {  	[bflag:$0x0] =	sbarrier.arrive $0xFFFF  }
0x40: {  	[hbm:s12], [sflag:s16] =	dma.local [spmem:s20], $0x1900  }
0x41: {  	s22 =	smov.u32 s12;
	_ =	swait.ge [sflag:s14], $0x1900  }
0x42: {  	s21 =	sadd.s32 $0xC8000, s11;
	s20 =	sadd.s32 $0xFFFFFFFF, s8;
	[sflag:s14] =	ssyncset.done $0x0  }
.LBB2_6:
0x43: {  	s23 =	sshrl.u32 s21, $0x3  }
0x44: {  	[sflag:s14] =	ssyncadd.s32 $0xFFFFE700;
	s22 =	sadd.s32 $0x19000, s22;
	p0 =	sne.s32 s20, $0x1  }
0x45: {  	[hbm:s22], [sflag:s16] =	dma.local [spmem:s23], $0x1900  }
.Ltmp5:
0x46: {  	_ = 	snop;
	(pc) =	sbr.rel @p0 .LBB2_6-.Ltmp5, $4  }
0x47: {  	_ = 	snop  }
0x48: {  	s20 =	sadd.s32 $0xFFFFFFFF, s20  }
0x49: {  	_ =	swait.ge [sflag:s14], $0x1900  }
0x4a: {  	s21 =	sadd.s32 $0xC8000, s21;
	[sflag:s14] =	ssyncset.done $0x0  }
.LBB2_7:
0x4b: {  	s19 =	sadd.s32 $0x1, s19  }
0x4c: {  	p0 =	sne.s32 s19, s10  }
.Ltmp6:
0x4d: {  	_ = 	snop;
	(pc) =	sbr.rel @p0 .LBB2_1-.Ltmp6, $2  }
0x4e: {  	_ =	sdelay $0x2  }
0x4f: {  	[sflag:s14] =	ssyncadd.s32 $0xFFFFE700  }
0x50: {  	_ =	sfence.sel $0x180000  }
0x51: {  	[bflag:$0x0] =	sbarrier.arrive $0xFFFF  }
0x52: {  	p0 =	sne.s32 s2, $0x0;
	_ =	strace $0x90000047  }
0x53: {  	s0 =	sadd.s32 @!p0 $0x100000, s0;
	[bflag:$0x2] =	sbarrier.arrive $0xFFFF  }
0x54: {  	[sflag:s0] =	ssyncadd.tile.s32 @!p0 $0x1;
	_ =	shalt  }
.Lfunc_end2:
_tile_overlayer_lowered:
.L_overlay_start_2:
0x55: {  	(tag) =	ssettag $0x2  }
0x56: {  	s0 =	rddreg [dreg:$0x0];
	s2 =	stileid.u32  }
0x57: {  	s1 =	rddreg [dreg:$0x1];
	p0 =	sne.s32 s2, $0x0  }
0x58: {  	s3 =	rddreg [dreg:$0x2];
	[bflag:$0x3] =	sbarrier.arrive $0xFFFF;
	s2 =	simm.s32 @!p0 $0x1C02  }
0x59: {  	[timem:s3], [sflag:s2] =	dma.local @!p0 [hbm:s0], s1  }
0x5a: {  	s0 =	simm.s32 @!p0 $0x2  }
0x5b: {  	_ =	swait.ge @!p0 [sflag:s0], s1  }
0x5c: {  	s1 =	ssub.s32 @!p0 $0x0, s1;
	[sflag:s0] =	ssyncset.done @!p0 $0x0  }
0x5d: {  	[sflag:s0] =	ssyncadd.s32 @!p0 s1  }
0x5e: {  	[bflag:$0x3] =	sbarrier.arrive $0xFFFF  }
0x5f: {  	_ =	shalt  }

</sc_bundles>
